<compile_context>
chip_gen: v7x
topology: tpu7x:2x2x1
jax: 0.10.2.dev20260603
libtpu: 0.0.44.dev20260713+nightly
codegen_flags: <defaults>
</compile_context>

<pallas_src>
import functools

import jax
import jax.numpy as jnp
from jax import lax
from jax.experimental import pallas as pl
from jax.experimental.pallas import tpu as pltpu
from jax.experimental.pallas import tpu_sc as plsc

_N = 10000
_E = 320000
_H = 8
_F = 16
_HF = _H * _F

_TILES = 16
_CORES = 2
_NP = 10112
_ROWS_PT = _NP // _TILES
_NPS = 10016
_RPS = _NPS // _TILES
_BLK = 128
_IC = 10
_NBLK = 80
_EP = _TILES * _CORES * _NBLK * _BLK
_SHIFT = 14
_MASK = (1 << _SHIFT) - 1



def _tc_prep_body(x_ref, wp_ref, a2_ref, proj_ref, sc_ref):
    proj = jnp.dot(x_ref[:], wp_ref[:], preferred_element_type=jnp.float32)
    proj_ref[:] = proj.astype(jnp.bfloat16)
    sc_ref[:] = jnp.dot(proj, a2_ref[:], preferred_element_type=jnp.float32)


_tc_prep = pl.pallas_call(
    _tc_prep_body,
    out_shape=[
        jax.ShapeDtypeStruct((_NP, _HF), jnp.bfloat16),
        jax.ShapeDtypeStruct((_NP, _F), jnp.float32),
    ],
)



_mesh = plsc.VectorSubcoreMesh(core_axis_name="c", subcore_axis_name="s")


def _edge_p(a_row, t_row):
    lane = lax.iota(jnp.int32, 16)
    sel = jnp.where(lane < _H, a_row, t_row)
    sco = sel + lax.rev(sel, dimensions=(0,))
    sco = jnp.maximum(sco, 0.2 * sco)
    return jnp.exp(sco)


@functools.partial(
    pl.kernel,
    out_type=[
        jax.ShapeDtypeStruct((_CORES, _NPS, _HF), jnp.bfloat16),
        jax.ShapeDtypeStruct((_CORES, _NPS, _F), jnp.float32),
    ],
    mesh=_mesh,
    compiler_params=pltpu.CompilerParams(
        use_tc_tiling_on_sc=False, needs_layout_passes=False),
    scratch_types=[
        pltpu.VMEM((_IC * _BLK,), jnp.int32),
        pltpu.VMEM((_BLK,), jnp.int32),
        pltpu.VMEM((_BLK,), jnp.int32),
        pltpu.VMEM((_BLK,), jnp.int32),
        pltpu.VMEM((_BLK,), jnp.int32),
        pltpu.VMEM((_BLK, _F), jnp.float32),
        pltpu.VMEM((_BLK, _F), jnp.float32),
        pltpu.VMEM((_BLK, _F), jnp.float32),
        pltpu.VMEM((_BLK, _F), jnp.float32),
        pltpu.VMEM((_BLK, _F), jnp.float32),
        pltpu.VMEM((_BLK, _F), jnp.float32),
        pltpu.VMEM((_BLK, _HF), jnp.bfloat16),
        pltpu.VMEM((_BLK, _HF), jnp.bfloat16),
        pltpu.SemaphoreType.DMA,
        pltpu.SemaphoreType.DMA,
        pltpu.SemaphoreType.DMA,
        pltpu.SemaphoreType.DMA,
        pltpu.VMEM_SHARED((_NPS, _HF), jnp.bfloat16),
        pltpu.VMEM_SHARED((_NPS, _F), jnp.float32),
    ],
)
def _sc_edges(epk_hbm, stab_hbm, proj_hbm, zo_hbm, zd_hbm,
              out_hbm, den_hbm, pk_i, si0, si1, ti0, ti1, sa0, sa1,
              st0, st1, at0, at1, pj0, pj1, g0, g1, s0, s1,
              out_sp, den_sp):
    c = lax.axis_index("c")
    s = lax.axis_index("s")
    w = s * _CORES + c
    r0 = s * _RPS
    e0 = w * (_NBLK * _BLK)

    src_i = (si0, si1)
    trg_i = (ti0, ti1)
    sa_v = (sa0, sa1)
    st_v = (st0, st1)
    att_v = (at0, at1)
    proj_v = (pj0, pj1)
    gsem = (g0, g1)
    ssem = (s0, s1)

    def load_chunk(j):
        pltpu.sync_copy(
            epk_hbm.at[pl.ds(e0 + j * _BLK, _IC * _BLK)], pk_i)

    def unpack(toff, b):
        @pl.loop(0, _BLK // 16)
        def _u(q):
            v = pk_i[pl.ds(toff * _BLK + q * 16, 16)]
            src_i[b][pl.ds(q * 16, 16)] = jnp.bitwise_and(v, _MASK)
            trg_i[b][pl.ds(q * 16, 16)] = jnp.right_shift(v, _SHIFT)

    def fire_g(b):
        pltpu.async_copy(stab_hbm.at[src_i[b]], sa_v[b], gsem[b])
        pltpu.async_copy(stab_hbm.at[trg_i[b]], st_v[b], gsem[b])
        pltpu.async_copy(proj_hbm.at[src_i[b]], proj_v[b], gsem[b])

    def wait_g(b):
        pltpu.make_async_copy(stab_hbm.at[src_i[b]], sa_v[b], gsem[b]).wait()
        pltpu.make_async_copy(stab_hbm.at[trg_i[b]], st_v[b], gsem[b]).wait()
        pltpu.make_async_copy(
            proj_hbm.at[src_i[b]], proj_v[b], gsem[b]).wait()

    def fire_s(b):
        pltpu.async_copy(att_v[b], den_sp.at[trg_i[b]], ssem[b], add=True)
        pltpu.async_copy(proj_v[b], out_sp.at[trg_i[b]], ssem[b], add=True)

    def wait_s(b):
        pltpu.make_async_copy(att_v[b], den_sp.at[trg_i[b]], ssem[b]).wait()
        pltpu.make_async_copy(
            proj_v[b], out_sp.at[trg_i[b]], ssem[b]).wait()

    def compute(b):
        lane = lax.iota(jnp.int32, 16)

        @pl.loop(0, _BLK)
        def _edge(r):
            p = _edge_p(sa_v[b][r, :], st_v[b][r, :])
            att_v[b][r, :] = p
            for q in range(_HF // 32):
                g32 = proj_v[b][r, pl.ds(q * 32, 32)]
                ga, gb = plsc.unpack(g32, format=plsc.PackFormat.INTERLEAVED)
                sc_pair = jnp.where(lane < 8, p[2 * q], p[2 * q + 1])
                proj_v[b][r, pl.ds(q * 32, 32)] = plsc.pack(
                    ga * sc_pair, gb * sc_pair,
                    format=plsc.PackFormat.INTERLEAVED)

    pltpu.sync_copy(zo_hbm.at[pl.ds(r0, _RPS)],
                    out_sp.at[pl.ds(r0, _RPS)])
    pltpu.sync_copy(zd_hbm.at[pl.ds(r0, _RPS)],
                    den_sp.at[pl.ds(r0, _RPS)])
    load_chunk(0)
    unpack(0, 0)
    fire_g(0)
    plsc.subcore_barrier()

    @pl.loop(0, _NBLK // 2)
    def _pair(k):
        for b in (0, 1):
            j = 2 * k + b
            wait_g(b)

            @pl.when(j >= 1)
            def _():
                wait_s(1 - b)

            @pl.when(j < _NBLK - 1)
            def _():
                jn = j + 1
                tn = lax.rem(jn, _IC)

                @pl.when(tn == 0)
                def _():
                    load_chunk(jn)

                unpack(tn, 1 - b)
                fire_g(1 - b)

            compute(b)
            fire_s(b)

    wait_s(1)
    plsc.subcore_barrier()
    pltpu.sync_copy(out_sp.at[pl.ds(r0, _RPS)],
                    out_hbm.at[c, pl.ds(r0, _RPS)])
    pltpu.sync_copy(den_sp.at[pl.ds(r0, _RPS)],
                    den_hbm.at[c, pl.ds(r0, _RPS)])



def _tc_fin_body(p_ref, d_ref, e_ref, x_ref, ws_ref, b_ref, o_ref):
    agg = (p_ref[0].astype(jnp.float32) + p_ref[1].astype(jnp.float32))
    den = d_ref[0] + d_ref[1]
    recip = 1.0 / (den + 1e-16)
    recip128 = jnp.dot(recip, e_ref[:], preferred_element_type=jnp.float32)
    acc = agg * recip128
    acc = acc + jnp.dot(x_ref[:], ws_ref[:], preferred_element_type=jnp.float32)
    acc = acc + b_ref[:]
    o_ref[:] = jnp.where(acc > 0, acc, jnp.exp(jnp.minimum(acc, 0.0)) - 1.0)


_tc_fin = pl.pallas_call(
    _tc_fin_body,
    out_shape=jax.ShapeDtypeStruct((_NPS, _HF), jnp.float32),
)



def kernel(node_features, edge_index, W_proj, a_src, a_trg, W_skip, bias):
    x = node_features.astype(jnp.float32)
    xp = jnp.pad(x, ((0, _NP - _N), (0, 0)))

    src = edge_index[0].astype(jnp.int32)
    trg = edge_index[1].astype(jnp.int32)
    pad_e = _EP - _E
    src_p = jnp.concatenate([src, jnp.full((pad_e,), _N, jnp.int32)])
    trg_p = jnp.concatenate([trg, jnp.full((pad_e,), _N, jnp.int32)])
    epk = src_p + (trg_p << _SHIFT)

    rows = jnp.arange(_HF, dtype=jnp.int32)
    hcol = rows // _F
    m_src = jnp.zeros((_HF, _H), jnp.float32).at[rows, hcol].set(
        a_src.reshape(_HF).astype(jnp.float32))
    m_trg = jnp.zeros((_HF, _H), jnp.float32).at[rows, hcol].set(
        a_trg.reshape(_HF).astype(jnp.float32))
    a2 = jnp.concatenate([m_src, m_trg[:, ::-1]], axis=1)

    proj, stab = _tc_prep(xp, W_proj.astype(jnp.float32), a2)

    zo = jnp.zeros((_NPS, _HF), jnp.bfloat16)
    zd = jnp.zeros((_NPS, _F), jnp.float32)
    partials, dens = _sc_edges(epk, stab, proj, zo, zd)

    e_mat = jnp.concatenate([
        (hcol[None, :] == jnp.arange(_H, dtype=jnp.int32)[:, None]
         ).astype(jnp.float32),
        jnp.zeros((_H, _HF), jnp.float32),
    ], axis=0)
    out = _tc_fin(partials, dens, e_mat, xp[:_NPS],
                  W_skip.astype(jnp.float32),
                  bias.reshape(1, _HF).astype(jnp.float32))
    return out[:_N]

# --- scband reference (transcript-rebuilt; emitter-appended) ---
"""Pipeline reference for scband-gatlayer-14207751815179 (READ-ONLY COPY).

The authoritative reference and input builder live on the scoring server;
editing this copy changes nothing except your own understanding.
"""

import jax, jax.numpy as jnp
import numpy as np

N_NODES = 10000
N_EDGES = 320000
IN_F = 128
OUT_F = 16
HEADS = 8


def setup_inputs(seed: int = 0) -> dict:
    key = jax.random.key(seed)
    k1, k2, k3, k4, k5, k6 = jax.random.split(key, 6)
    node_features = jax.random.normal(k1, (N_NODES, IN_F), dtype=jnp.float32)
    edge_index = jax.random.randint(k2, (2, N_EDGES), 0, N_NODES, dtype=jnp.int64 if jax.config.read('jax_enable_x64') else jnp.int32)
    # xavier-uniform style init
    lim_proj = float(np.sqrt(6.0 / (IN_F + HEADS * OUT_F)))
    W_proj = jax.random.uniform(k3, (IN_F, HEADS * OUT_F), minval=-lim_proj, maxval=lim_proj, dtype=jnp.float32)
    lim_score = float(np.sqrt(6.0 / (HEADS + OUT_F)))
    a_src = jax.random.uniform(k4, (1, HEADS, OUT_F), minval=-lim_score, maxval=lim_score, dtype=jnp.float32)
    a_trg = jax.random.uniform(k5, (1, HEADS, OUT_F), minval=-lim_score, maxval=lim_score, dtype=jnp.float32)
    W_skip = jax.random.uniform(k6, (IN_F, HEADS * OUT_F), minval=-lim_proj, maxval=lim_proj, dtype=jnp.float32)
    bias = jnp.zeros((HEADS * OUT_F,), dtype=jnp.float32)
    return {
        'node_features': node_features,
        'edge_index': edge_index,
        'W_proj': W_proj,
        'a_src': a_src,
        'a_trg': a_trg,
        'W_skip': W_skip,
        'bias': bias,
    }


def reference(node_features, edge_index, W_proj, a_src, a_trg, W_skip, bias):
    # GATLayer forward (dropout_prob=0.0 -> dropout is identity / eval mode)
    num_nodes = node_features.shape[0]
    proj = (node_features @ W_proj).reshape(-1, HEADS, OUT_F)  # [N, H, F]
    scores_source = (proj * a_src).sum(axis=-1)  # [N, H]
    scores_target = (proj * a_trg).sum(axis=-1)  # [N, H]
    src = edge_index[0]
    trg = edge_index[1]
    # lift
    scores_source_lifted = jnp.take(scores_source, src, axis=0)  # [E, H]
    scores_target_lifted = jnp.take(scores_target, trg, axis=0)  # [E, H]
    proj_lifted = jnp.take(proj, src, axis=0)  # [E, H, F]
    scores_per_edge = jax.nn.leaky_relu(scores_source_lifted + scores_target_lifted, negative_slope=0.2)
    # neighborhood-aware softmax
    scores_per_edge = scores_per_edge - scores_per_edge.max()
    exp_scores = jnp.exp(scores_per_edge)  # [E, H]
    denom = jax.ops.segment_sum(exp_scores, trg, num_segments=num_nodes)  # [N, H]
    denom_lifted = jnp.take(denom, trg, axis=0)  # [E, H]
    att = (exp_scores / (denom_lifted + 1e-16))[:, :, None]  # [E, H, 1]
    weighted = proj_lifted * att  # [E, H, F]
    out = jnp.zeros((num_nodes, HEADS, OUT_F), dtype=node_features.dtype).at[trg].add(weighted)
    # skip connection: out channels (H*F=128) == in channels per-head mismatch -> skip_proj path
    out = out + (node_features @ W_skip).reshape(-1, HEADS, OUT_F)
    # concat heads + bias
    out = out.reshape(-1, HEADS * OUT_F) + bias
    # ELU activation
    return jax.nn.elu(out)

if __name__ == "__main__":
    import jax
    _d = setup_inputs()
    print(jax.jit(kernel)(*tuple(_d.values())))

</pallas_src>

<mosaic_0001>
#map = affine_map<(d0, d1) -> (0)>
#map1 = affine_map<(d0, d1) -> (0, 0)>
#map2 = affine_map<(d0, d1) -> (0, 0, 0)>
module attributes {stable_mosaic.version = 14 : i64} {
  func.func @_sc_edges(%arg0: i32, %arg1: i32, %arg2: memref<327680xi32, #tpu.memory_space<hbm>>, %arg3: memref<10112x16xf32, #tpu.memory_space<hbm>>, %arg4: memref<10112x128xbf16, #tpu.memory_space<hbm>>, %arg5: memref<10016x128xbf16, #tpu.memory_space<hbm>>, %arg6: memref<10016x16xf32, #tpu.memory_space<hbm>>, %arg7: memref<2x10016x128xbf16, #tpu.memory_space<hbm>>, %arg8: memref<2x10016x16xf32, #tpu.memory_space<hbm>>, %arg9: memref<1280xi32, #tpu.memory_space<vmem>>, %arg10: memref<128xi32, #tpu.memory_space<vmem>>, %arg11: memref<128xi32, #tpu.memory_space<vmem>>, %arg12: memref<128xi32, #tpu.memory_space<vmem>>, %arg13: memref<128xi32, #tpu.memory_space<vmem>>, %arg14: memref<128x16xf32, #tpu.memory_space<vmem>>, %arg15: memref<128x16xf32, #tpu.memory_space<vmem>>, %arg16: memref<128x16xf32, #tpu.memory_space<vmem>>, %arg17: memref<128x16xf32, #tpu.memory_space<vmem>>, %arg18: memref<128x16xf32, #tpu.memory_space<vmem>>, %arg19: memref<128x16xf32, #tpu.memory_space<vmem>>, %arg20: memref<128x128xbf16, #tpu.memory_space<vmem>>, %arg21: memref<128x128xbf16, #tpu.memory_space<vmem>>, %arg22: memref<!tpu.dma_semaphore, #tpu.memory_space<semaphore_mem>>, %arg23: memref<!tpu.dma_semaphore, #tpu.memory_space<semaphore_mem>>, %arg24: memref<!tpu.dma_semaphore, #tpu.memory_space<semaphore_mem>>, %arg25: memref<!tpu.dma_semaphore, #tpu.memory_space<semaphore_mem>>, %arg26: memref<10016x128xbf16, #tpu.memory_space<vmem_shared>>, %arg27: memref<10016x16xf32, #tpu.memory_space<vmem_shared>>) attributes {dimension_semantics = [#tpu.dimension_semantics<core_parallel>, #tpu.dimension_semantics<subcore_parallel>], iteration_bounds = array<i64: 2, 16>, scalar_prefetch = 0 : i64, scratch_operands = 19 : i64, tpu.core_type = #tpu.core_type<sc_vector_subcore>, window_params = [{transform_indices = #map}, {transform_indices = #map1}, {transform_indices = #map1}, {transform_indices = #map1}, {transform_indices = #map1}, {transform_indices = #map2}, {transform_indices = #map2}]} {
    %mul3A = arith.constant 2 : i32
    %mul3A_0 = arith.muli %arg1, %mul3A : i32
    %add3A = arith.addi %mul3A_0, %arg0 : i32
    %mul3A_1 = arith.constant 626 : i32
    %mul3A_2 = arith.muli %arg1, %mul3A_1 : i32
    %mul3A_3 = arith.constant 10240 : i32
    %mul3A_4 = arith.muli %add3A, %mul3A_3 : i32
    "tpu.region"() ({
      %run_scoped3A = tpu.sem_alloc : memref<!tpu.dma_semaphore, #tpu.memory_space<semaphore_mem>>
      %dma_start3A_30 = arith.constant 0 : i32
      %dma_start3A_31 = tpu.memref_slice %arg26[%mul3A_2, %dma_start3A_30] : memref<10016x128xbf16, #tpu.memory_space<vmem_shared>> -> memref<626x128xbf16, #tpu.memory_space<vmem_shared>>
      %dma_start3A_32 = arith.constant 0 : i32
      %dma_start3A_33 = tpu.memref_slice %arg5[%mul3A_2, %dma_start3A_32] : memref<10016x128xbf16, #tpu.memory_space<hbm>> -> memref<626x128xbf16, #tpu.memory_space<hbm>>
      tpu.enqueue_dma source(%dma_start3A_33 : memref<626x128xbf16, #tpu.memory_space<hbm>>) target(%dma_start3A_31 : memref<626x128xbf16, #tpu.memory_space<vmem_shared>>) target_semaphore(%run_scoped3A : memref<!tpu.dma_semaphore, #tpu.memory_space<semaphore_mem>>)
      %dma_wait3A_34 = arith.constant 0 : i32
      %dma_wait3A_35 = tpu.memref_slice %arg26[%mul3A_2, %dma_wait3A_34] : memref<10016x128xbf16, #tpu.memory_space<vmem_shared>> -> memref<626x128xbf16, #tpu.memory_space<vmem_shared>>
      %dma_wait3A_36 = arith.constant 0 : i32
      %dma_wait3A_37 = tpu.memref_slice %arg5[%mul3A_2, %dma_wait3A_36] : memref<10016x128xbf16, #tpu.memory_space<hbm>> -> memref<626x128xbf16, #tpu.memory_space<hbm>>
      tpu.wait_dma2 semaphore(%run_scoped3A : memref<!tpu.dma_semaphore, #tpu.memory_space<semaphore_mem>>) src(%dma_wait3A_37 : memref<626x128xbf16, #tpu.memory_space<hbm>>) dst(%dma_wait3A_35 : memref<626x128xbf16, #tpu.memory_space<vmem_shared>>)
      tpu.yield
    }) : () -> ()
    "tpu.region"() ({
      %run_scoped3A = tpu.sem_alloc : memref<!tpu.dma_semaphore, #tpu.memory_space<semaphore_mem>>
      %dma_start3A_30 = arith.constant 0 : i32
      %dma_start3A_31 = tpu.memref_slice %arg27[%mul3A_2, %dma_start3A_30] : memref<10016x16xf32, #tpu.memory_space<vmem_shared>> -> memref<626x16xf32, #tpu.memory_space<vmem_shared>>
      %dma_start3A_32 = arith.constant 0 : i32
      %dma_start3A_33 = tpu.memref_slice %arg6[%mul3A_2, %dma_start3A_32] : memref<10016x16xf32, #tpu.memory_space<hbm>> -> memref<626x16xf32, #tpu.memory_space<hbm>>
      tpu.enqueue_dma source(%dma_start3A_33 : memref<626x16xf32, #tpu.memory_space<hbm>>) target(%dma_start3A_31 : memref<626x16xf32, #tpu.memory_space<vmem_shared>>) target_semaphore(%run_scoped3A : memref<!tpu.dma_semaphore, #tpu.memory_space<semaphore_mem>>)
      %dma_wait3A_34 = arith.constant 0 : i32
      %dma_wait3A_35 = tpu.memref_slice %arg27[%mul3A_2, %dma_wait3A_34] : memref<10016x16xf32, #tpu.memory_space<vmem_shared>> -> memref<626x16xf32, #tpu.memory_space<vmem_shared>>
      %dma_wait3A_36 = arith.constant 0 : i32
      %dma_wait3A_37 = tpu.memref_slice %arg6[%mul3A_2, %dma_wait3A_36] : memref<10016x16xf32, #tpu.memory_space<hbm>> -> memref<626x16xf32, #tpu.memory_space<hbm>>
      tpu.wait_dma2 semaphore(%run_scoped3A : memref<!tpu.dma_semaphore, #tpu.memory_space<semaphore_mem>>) src(%dma_wait3A_37 : memref<626x16xf32, #tpu.memory_space<hbm>>) dst(%dma_wait3A_35 : memref<626x16xf32, #tpu.memory_space<vmem_shared>>)
      tpu.yield
    }) : () -> ()
    %add3A_5 = arith.constant 0 : i32
    %add3A_6 = arith.addi %mul3A_4, %add3A_5 : i32
    "tpu.region"() ({
      %run_scoped3A = tpu.sem_alloc : memref<!tpu.dma_semaphore, #tpu.memory_space<semaphore_mem>>
      %dma_start3A_30 = tpu.memref_slice %arg2[%add3A_6] : memref<327680xi32, #tpu.memory_space<hbm>> -> memref<1280xi32, #tpu.memory_space<hbm>>
      %dma_start3A_31 = tpu.memref_slice %arg2[%add3A_6] : memref<327680xi32, #tpu.memory_space<hbm>> -> memref<1280xi32, #tpu.memory_space<hbm>>
      tpu.enqueue_dma source(%dma_start3A_31 : memref<1280xi32, #tpu.memory_space<hbm>>) target(%arg9 : memref<1280xi32, #tpu.memory_space<vmem>>) target_semaphore(%run_scoped3A : memref<!tpu.dma_semaphore, #tpu.memory_space<semaphore_mem>>)
      %dma_wait3A_32 = tpu.memref_slice %arg2[%add3A_6] : memref<327680xi32, #tpu.memory_space<hbm>> -> memref<1280xi32, #tpu.memory_space<hbm>>
      %dma_wait3A_33 = tpu.memref_slice %arg2[%add3A_6] : memref<327680xi32, #tpu.memory_space<hbm>> -> memref<1280xi32, #tpu.memory_space<hbm>>
      tpu.wait_dma2 semaphore(%run_scoped3A : memref<!tpu.dma_semaphore, #tpu.memory_space<semaphore_mem>>) src(%dma_wait3A_33 : memref<1280xi32, #tpu.memory_space<hbm>>) dst(%arg9 : memref<1280xi32, #tpu.memory_space<vmem>>)
      tpu.yield
    }) : () -> ()
    %scan3A = arith.constant 0 : i32
    %scan3A_7 = arith.constant 8 : i32
    %scan3A_8 = arith.addi %scan3A, %scan3A_7 : i32
    %scan3A_9 = arith.constant 1 : i32
    scf.for %scan3A_30 = %scan3A to %scan3A_8 step %scan3A_9  : i32 {
      %mul3A_31 = arith.constant 1 : i32
      %mul3A_32 = arith.muli %scan3A_30, %mul3A_31 : i32
      %add3A_33 = arith.constant 0 : i32
      %add3A_34 = arith.addi %add3A_33, %mul3A_32 : i32
      %mul3A_35 = arith.constant 16 : i32
      %mul3A_36 = arith.muli %add3A_34, %mul3A_35 : i32
      %add3A_37 = arith.constant 0 : i32
      %add3A_38 = arith.addi %add3A_37, %mul3A_36 : i32
      %get3A = arith.index_cast %add3A_38 : i32 to index
      %get3A_39 = tpu.vector_load %arg9[%get3A] {strides = array<i32>} : memref<1280xi32, #tpu.memory_space<vmem>>, vector<16xi32>,
      %and3A = arith.constant 16383 : i32
      %and3A_40 = vector.broadcast %and3A : i32 to vector<16xi32>
      %and3A_41 = arith.andi %get3A_39, %and3A_40 : vector<16xi32>
      %mul3A_42 = arith.constant 16 : i32
      %mul3A_43 = arith.muli %add3A_34, %mul3A_42 : i32
      %swap3A = arith.index_cast %mul3A_43 : i32 to index
      %swap3A_44 = tpu.vector_load %arg10[%swap3A] {strides = array<i32>} : memref<128xi32, #tpu.memory_space<vmem>>, vector<16xi32>,
      tpu.vector_store %arg10[%swap3A], %and3A_41 {strides = array<i32>} : memref<128xi32, #tpu.memory_space<vmem>>, vector<16xi32>,
      %shift_right_arithmetic3A = arith.constant 14 : i32
      %shift_right_arithmetic3A_45 = vector.broadcast %shift_right_arithmetic3A : i32 to vector<16xi32>
      %shift_right_arithmetic3A_46 = arith.shrsi %get3A_39, %shift_right_arithmetic3A_45 : vector<16xi32>
      %mul3A_47 = arith.constant 16 : i32
      %mul3A_48 = arith.muli %add3A_34, %mul3A_47 : i32
      %swap3A_49 = arith.index_cast %mul3A_48 : i32 to index
      %swap3A_50 = tpu.vector_load %arg12[%swap3A_49] {strides = array<i32>} : memref<128xi32, #tpu.memory_space<vmem>>, vector<16xi32>,
      tpu.vector_store %arg12[%swap3A_49], %shift_right_arithmetic3A_46 {strides = array<i32>} : memref<128xi32, #tpu.memory_space<vmem>>, vector<16xi32>,
    }
    %scan3A_10 = arith.constant 8 : i32
    %dma_start3A = arith.constant 0 : i32
    %dma_start3A_11 = arith.constant 0 : i32
    %dma_start3A_12 = tpu.memref_slice %arg3[%dma_start3A, %dma_start3A_11] : memref<10112x16xf32, #tpu.memory_space<hbm>> -> memref<10112x16xf32, #tpu.memory_space<hbm>>
    tpu.enqueue_indirect_dma source(%dma_start3A_12 : memref<10112x16xf32, #tpu.memory_space<hbm>>) target(%arg14 : memref<128x16xf32, #tpu.memory_space<vmem>>) offsets(%arg10 : memref<128xi32, #tpu.memory_space<vmem>>) semaphore(%arg22 : memref<!tpu.dma_semaphore, #tpu.memory_space<semaphore_mem>>)
    %dma_start3A_13 = arith.constant 0 : i32
    %dma_start3A_14 = arith.constant 0 : i32
    %dma_start3A_15 = tpu.memref_slice %arg3[%dma_start3A_13, %dma_start3A_14] : memref<10112x16xf32, #tpu.memory_space<hbm>> -> memref<10112x16xf32, #tpu.memory_space<hbm>>
    tpu.enqueue_indirect_dma source(%dma_start3A_15 : memref<10112x16xf32, #tpu.memory_space<hbm>>) target(%arg16 : memref<128x16xf32, #tpu.memory_space<vmem>>) offsets(%arg12 : memref<128xi32, #tpu.memory_space<vmem>>) semaphore(%arg22 : memref<!tpu.dma_semaphore, #tpu.memory_space<semaphore_mem>>)
    %dma_start3A_16 = arith.constant 0 : i32
    %dma_start3A_17 = arith.constant 0 : i32
    %dma_start3A_18 = tpu.memref_slice %arg4[%dma_start3A_16, %dma_start3A_17] : memref<10112x128xbf16, #tpu.memory_space<hbm>> -> memref<10112x128xbf16, #tpu.memory_space<hbm>>
    tpu.enqueue_indirect_dma source(%dma_start3A_18 : memref<10112x128xbf16, #tpu.memory_space<hbm>>) target(%arg20 : memref<128x128xbf16, #tpu.memory_space<vmem>>) offsets(%arg10 : memref<128xi32, #tpu.memory_space<vmem>>) semaphore(%arg22 : memref<!tpu.dma_semaphore, #tpu.memory_space<semaphore_mem>>)
    %barrier3A = arith.constant 0 : index
    tpu.barrier barrier_id(%barrier3A)
    %scan3A_19 = arith.constant 0 : i32
    %scan3A_20 = arith.constant 40 : i32
    %scan3A_21 = arith.addi %scan3A_19, %scan3A_20 : i32
    %scan3A_22 = arith.constant 1 : i32
    scf.for %scan3A_30 = %scan3A_19 to %scan3A_21 step %scan3A_22  : i32 {
      %mul3A_31 = arith.constant 1 : i32
      %mul3A_32 = arith.muli %scan3A_30, %mul3A_31 : i32
      %add3A_33 = arith.constant 0 : i32
      %add3A_34 = arith.addi %add3A_33, %mul3A_32 : i32
      %mul3A_35 = arith.constant 2 : i32
      %mul3A_36 = arith.muli %mul3A_35, %add3A_34 : i32
      %add3A_37 = arith.constant 0 : i32
      %add3A_38 = arith.addi %mul3A_36, %add3A_37 : i32
      %dma_wait3A_39 = arith.constant 0 : i32
      %dma_wait3A_40 = arith.constant 0 : i32
      %dma_wait3A_41 = tpu.memref_slice %arg3[%dma_wait3A_39, %dma_wait3A_40] : memref<10112x16xf32, #tpu.memory_space<hbm>> -> memref<10112x16xf32, #tpu.memory_space<hbm>>
      tpu.wait_indirect_dma semaphore(%arg22 : memref<!tpu.dma_semaphore, #tpu.memory_space<semaphore_mem>>) src(%dma_wait3A_41 : memref<10112x16xf32, #tpu.memory_space<hbm>>) dst(%arg14 : memref<128x16xf32, #tpu.memory_space<vmem>>)
      %dma_wait3A_42 = arith.constant 0 : i32
      %dma_wait3A_43 = arith.constant 0 : i32
      %dma_wait3A_44 = tpu.memref_slice %arg3[%dma_wait3A_42, %dma_wait3A_43] : memref<10112x16xf32, #tpu.memory_space<hbm>> -> memref<10112x16xf32, #tpu.memory_space<hbm>>
      tpu.wait_indirect_dma semaphore(%arg22 : memref<!tpu.dma_semaphore, #tpu.memory_space<semaphore_mem>>) src(%dma_wait3A_44 : memref<10112x16xf32, #tpu.memory_space<hbm>>) dst(%arg16 : memref<128x16xf32, #tpu.memory_space<vmem>>)
      %dma_wait3A_45 = arith.constant 0 : i32
      %dma_wait3A_46 = arith.constant 0 : i32
      %dma_wait3A_47 = tpu.memref_slice %arg4[%dma_wait3A_45, %dma_wait3A_46] : memref<10112x128xbf16, #tpu.memory_space<hbm>> -> memref<10112x128xbf16, #tpu.memory_space<hbm>>
      tpu.wait_indirect_dma semaphore(%arg22 : memref<!tpu.dma_semaphore, #tpu.memory_space<semaphore_mem>>) src(%dma_wait3A_47 : memref<10112x128xbf16, #tpu.memory_space<hbm>>) dst(%arg20 : memref<128x128xbf16, #tpu.memory_space<vmem>>)
      %ge3A = arith.constant 1 : i32
      %ge3A_48 = arith.cmpi sge, %add3A_38, %ge3A : i32
      %convert_element_type3A = arith.extui %ge3A_48 : i1 to i32
      %cond3A = arith.constant 0 : i32
      %cond3A_49 = arith.cmpi ne, %convert_element_type3A, %cond3A : i32
      scf.if %cond3A_49 {
        %dma_wait3A_100 = arith.constant 0 : i32
        %dma_wait3A_101 = arith.constant 0 : i32
        %dma_wait3A_102 = tpu.memref_slice %arg27[%dma_wait3A_100, %dma_wait3A_101] : memref<10016x16xf32, #tpu.memory_space<vmem_shared>> -> memref<10016x16xf32, #tpu.memory_space<vmem_shared>>
        tpu.wait_indirect_dma semaphore(%arg25 : memref<!tpu.dma_semaphore, #tpu.memory_space<semaphore_mem>>) src(%arg19 : memref<128x16xf32, #tpu.memory_space<vmem>>) dst(%dma_wait3A_102 : memref<10016x16xf32, #tpu.memory_space<vmem_shared>>)
        %dma_wait3A_103 = arith.constant 0 : i32
        %dma_wait3A_104 = arith.constant 0 : i32
        %dma_wait3A_105 = tpu.memref_slice %arg26[%dma_wait3A_103, %dma_wait3A_104] : memref<10016x128xbf16, #tpu.memory_space<vmem_shared>> -> memref<10016x128xbf16, #tpu.memory_space<vmem_shared>>
        tpu.wait_indirect_dma semaphore(%arg25 : memref<!tpu.dma_semaphore, #tpu.memory_space<semaphore_mem>>) src(%arg21 : memref<128x128xbf16, #tpu.memory_space<vmem>>) dst(%dma_wait3A_105 : memref<10016x128xbf16, #tpu.memory_space<vmem_shared>>)
      } else {
      }
      %lt3A = arith.constant 79 : i32
      %lt3A_50 = arith.cmpi slt, %add3A_38, %lt3A : i32
      %convert_element_type3A_51 = arith.extui %lt3A_50 : i1 to i32
      %cond3A_52 = arith.constant 0 : i32
      %cond3A_53 = arith.cmpi ne, %convert_element_type3A_51, %cond3A_52 : i32
      scf.if %cond3A_53 {
        %add3A_100 = arith.constant 1 : i32
        %add3A_101 = arith.addi %add3A_38, %add3A_100 : i32
        %rem3A = arith.constant 10 : i32
        %rem3A_102 = arith.remsi %add3A_101, %rem3A : i32
        %eq3A = arith.constant 0 : i32
        %eq3A_103 = arith.cmpi eq, %rem3A_102, %eq3A : i32
        %convert_element_type3A_104 = arith.extui %eq3A_103 : i1 to i32
        %cond3A_105 = arith.constant 0 : i32
        %cond3A_106 = arith.cmpi ne, %convert_element_type3A_104, %cond3A_105 : i32
        scf.if %cond3A_106 {
          %mul3A_121 = arith.constant 128 : i32
          %mul3A_122 = arith.muli %add3A_101, %mul3A_121 : i32
          %add3A_123 = arith.addi %mul3A_4, %mul3A_122 : i32
          "tpu.region"() ({
            %run_scoped3A = tpu.sem_alloc : memref<!tpu.dma_semaphore, #tpu.memory_space<semaphore_mem>>
            %dma_start3A_124 = tpu.memref_slice %arg2[%add3A_123] : memref<327680xi32, #tpu.memory_space<hbm>> -> memref<1280xi32, #tpu.memory_space<hbm>>
            %dma_start3A_125 = tpu.memref_slice %arg2[%add3A_123] : memref<327680xi32, #tpu.memory_space<hbm>> -> memref<1280xi32, #tpu.memory_space<hbm>>
            tpu.enqueue_dma source(%dma_start3A_125 : memref<1280xi32, #tpu.memory_space<hbm>>) target(%arg9 : memref<1280xi32, #tpu.memory_space<vmem>>) target_semaphore(%run_scoped3A : memref<!tpu.dma_semaphore, #tpu.memory_space<semaphore_mem>>)
            %dma_wait3A_126 = tpu.memref_slice %arg2[%add3A_123] : memref<327680xi32, #tpu.memory_space<hbm>> -> memref<1280xi32, #tpu.memory_space<hbm>>
            %dma_wait3A_127 = tpu.memref_slice %arg2[%add3A_123] : memref<327680xi32, #tpu.memory_space<hbm>> -> memref<1280xi32, #tpu.memory_space<hbm>>
            tpu.wait_dma2 semaphore(%run_scoped3A : memref<!tpu.dma_semaphore, #tpu.memory_space<semaphore_mem>>) src(%dma_wait3A_127 : memref<1280xi32, #tpu.memory_space<hbm>>) dst(%arg9 : memref<1280xi32, #tpu.memory_space<vmem>>)
            tpu.yield
          }) : () -> ()
        } else {
        }
        %scan3A_107 = arith.constant 0 : i32
        %scan3A_108 = arith.constant 8 : i32
        %scan3A_109 = arith.addi %scan3A_107, %scan3A_108 : i32
        %scan3A_110 = arith.constant 1 : i32
        scf.for %scan3A_121 = %scan3A_107 to %scan3A_109 step %scan3A_110  : i32 {
          %mul3A_122 = arith.constant 1 : i32
          %mul3A_123 = arith.muli %scan3A_121, %mul3A_122 : i32
          %add3A_124 = arith.constant 0 : i32
          %add3A_125 = arith.addi %add3A_124, %mul3A_123 : i32
          %mul3A_126 = arith.constant 128 : i32
          %mul3A_127 = arith.muli %rem3A_102, %mul3A_126 : i32
          %mul3A_128 = arith.constant 16 : i32
          %mul3A_129 = arith.muli %add3A_125, %mul3A_128 : i32
          %add3A_130 = arith.addi %mul3A_127, %mul3A_129 : i32
          %get3A = arith.index_cast %add3A_130 : i32 to index
          %get3A_131 = tpu.vector_load %arg9[%get3A] {strides = array<i32>} : memref<1280xi32, #tpu.memory_space<vmem>>, vector<16xi32>,
          %and3A = arith.constant 16383 : i32
          %and3A_132 = vector.broadcast %and3A : i32 to vector<16xi32>
          %and3A_133 = arith.andi %get3A_131, %and3A_132 : vector<16xi32>
          %mul3A_134 = arith.constant 16 : i32
          %mul3A_135 = arith.muli %add3A_125, %mul3A_134 : i32
          %swap3A = arith.index_cast %mul3A_135 : i32 to index
          %swap3A_136 = tpu.vector_load %arg11[%swap3A] {strides = array<i32>} : memref<128xi32, #tpu.memory_space<vmem>>, vector<16xi32>,
          tpu.vector_store %arg11[%swap3A], %and3A_133 {strides = array<i32>} : memref<128xi32, #tpu.memory_space<vmem>>, vector<16xi32>,
          %shift_right_arithmetic3A = arith.constant 14 : i32
          %shift_right_arithmetic3A_137 = vector.broadcast %shift_right_arithmetic3A : i32 to vector<16xi32>
          %shift_right_arithmetic3A_138 = arith.shrsi %get3A_131, %shift_right_arithmetic3A_137 : vector<16xi32>
          %mul3A_139 = arith.constant 16 : i32
          %mul3A_140 = arith.muli %add3A_125, %mul3A_139 : i32
          %swap3A_141 = arith.index_cast %mul3A_140 : i32 to index
          %swap3A_142 = tpu.vector_load %arg13[%swap3A_141] {strides = array<i32>} : memref<128xi32, #tpu.memory_space<vmem>>, vector<16xi32>,
          tpu.vector_store %arg13[%swap3A_141], %shift_right_arithmetic3A_138 {strides = array<i32>} : memref<128xi32, #tpu.memory_space<vmem>>, vector<16xi32>,
        }
        %scan3A_111 = arith.constant 8 : i32
        %dma_start3A_112 = arith.constant 0 : i32
        %dma_start3A_113 = arith.constant 0 : i32
        %dma_start3A_114 = tpu.memref_slice %arg3[%dma_start3A_112, %dma_start3A_113] : memref<10112x16xf32, #tpu.memory_space<hbm>> -> memref<10112x16xf32, #tpu.memory_space<hbm>>
        tpu.enqueue_indirect_dma source(%dma_start3A_114 : memref<10112x16xf32, #tpu.memory_space<hbm>>) target(%arg15 : memref<128x16xf32, #tpu.memory_space<vmem>>) offsets(%arg11 : memref<128xi32, #tpu.memory_space<vmem>>) semaphore(%arg23 : memref<!tpu.dma_semaphore, #tpu.memory_space<semaphore_mem>>)
        %dma_start3A_115 = arith.constant 0 : i32
        %dma_start3A_116 = arith.constant 0 : i32
        %dma_start3A_117 = tpu.memref_slice %arg3[%dma_start3A_115, %dma_start3A_116] : memref<10112x16xf32, #tpu.memory_space<hbm>> -> memref<10112x16xf32, #tpu.memory_space<hbm>>
        tpu.enqueue_indirect_dma source(%dma_start3A_117 : memref<10112x16xf32, #tpu.memory_space<hbm>>) target(%arg17 : memref<128x16xf32, #tpu.memory_space<vmem>>) offsets(%arg13 : memref<128xi32, #tpu.memory_space<vmem>>) semaphore(%arg23 : memref<!tpu.dma_semaphore, #tpu.memory_space<semaphore_mem>>)
        %dma_start3A_118 = arith.constant 0 : i32
        %dma_start3A_119 = arith.constant 0 : i32
        %dma_start3A_120 = tpu.memref_slice %arg4[%dma_start3A_118, %dma_start3A_119] : memref<10112x128xbf16, #tpu.memory_space<hbm>> -> memref<10112x128xbf16, #tpu.memory_space<hbm>>
        tpu.enqueue_indirect_dma source(%dma_start3A_120 : memref<10112x128xbf16, #tpu.memory_space<hbm>>) target(%arg21 : memref<128x128xbf16, #tpu.memory_space<vmem>>) offsets(%arg11 : memref<128xi32, #tpu.memory_space<vmem>>) semaphore(%arg23 : memref<!tpu.dma_semaphore, #tpu.memory_space<semaphore_mem>>)
      } else {
      }
      %iota3A = tpu.iota {dimensions = array<i32: 0>} : vector<16xi32>
      %scan3A_54 = arith.constant 0 : i32
      %scan3A_55 = arith.constant 128 : i32
      %scan3A_56 = arith.addi %scan3A_54, %scan3A_55 : i32
      %scan3A_57 = arith.constant 1 : i32
      scf.for %scan3A_100 = %scan3A_54 to %scan3A_56 step %scan3A_57  : i32 {
        %mul3A_101 = arith.constant 1 : i32
        %mul3A_102 = arith.muli %scan3A_100, %mul3A_101 : i32
        %add3A_103 = arith.constant 0 : i32
        %add3A_104 = arith.addi %add3A_103, %mul3A_102 : i32
        %get3A = arith.index_cast %add3A_104 : i32 to index
        %get3A_105 = arith.constant 0 : index
        %get3A_106 = tpu.vector_load %arg14[%get3A, %get3A_105] {strides = array<i32>} : memref<128x16xf32, #tpu.memory_space<vmem>>, vector<16xf32>,
        %get3A_107 = arith.index_cast %add3A_104 : i32 to index
        %get3A_108 = arith.constant 0 : index
        %get3A_109 = tpu.vector_load %arg16[%get3A_107, %get3A_108] {strides = array<i32>} : memref<128x16xf32, #tpu.memory_space<vmem>>, vector<16xf32>,
        %iota3A_110 = tpu.iota {dimensions = array<i32: 0>} : vector<16xi32>
        %lt3A_111 = arith.constant 8 : i32
        %lt3A_112 = vector.broadcast %lt3A_111 : i32 to vector<16xi32>
        %lt3A_113 = arith.cmpi slt, %iota3A_110, %lt3A_112 : vector<16xi32>
        %select_n3A = arith.select %lt3A_113, %get3A_106, %get3A_109 : vector<16xi1>, vector<16xf32>
        %rev3A = arith.constant 15 : i32
        %rev3A_114 = vector.broadcast %rev3A : i32 to vector<16xi32>
        %rev3A_115 = tpu.iota {dimensions = array<i32: 0>} : vector<16xi32>
        %rev3A_116 = arith.subi %rev3A_114, %rev3A_115 : vector<16xi32>
        %rev3A_117 = tpu.dynamic_gather %select_n3A[%rev3A_116] in [0] : vector<16xf32>, vector<16xi32> -> vector<16xf32>
        %add3A_118 = arith.addf %select_n3A, %rev3A_117 : vector<16xf32>
        %mul3A_119 = arith.constant 2.000000e-01 : f32
        %mul3A_120 = vector.broadcast %mul3A_119 : f32 to vector<16xf32>
        %mul3A_121 = arith.mulf %mul3A_120, %add3A_118 : vector<16xf32>
        %max3A = arith.maximumf %add3A_118, %mul3A_121 : vector<16xf32>
        %exp3A = math.exp %max3A : vector<16xf32>
        %swap3A = arith.index_cast %add3A_104 : i32 to index
        %swap3A_122 = arith.constant 0 : index
        %swap3A_123 = tpu.vector_load %arg18[%swap3A, %swap3A_122] {strides = array<i32>} : memref<128x16xf32, #tpu.memory_space<vmem>>, vector<16xf32>,
        tpu.vector_store %arg18[%swap3A, %swap3A_122], %exp3A {strides = array<i32>} : memref<128x16xf32, #tpu.memory_space<vmem>>, vector<16xf32>,
        %get3A_124 = arith.index_cast %add3A_104 : i32 to index
        %get3A_125 = arith.constant 0 : index
        %get3A_126 = tpu.vector_load %arg20[%get3A_124, %get3A_125] {strides = array<i32>} : memref<128x128xbf16, #tpu.memory_space<vmem>>, vector<32xbf16>,
        %unpack3A = tpu.unpack_subelements %get3A_126, 0 {pack_format = #tpu.pack_format<interleaved>} : vector<32xbf16> -> vector<16xf32>
        %unpack3A_127 = tpu.unpack_subelements %get3A_126, 1 {pack_format = #tpu.pack_format<interleaved>} : vector<32xbf16> -> vector<16xf32>
        %lt3A_128 = arith.constant 8 : i32
        %lt3A_129 = vector.broadcast %lt3A_128 : i32 to vector<16xi32>
        %lt3A_130 = arith.cmpi slt, %iota3A, %lt3A_129 : vector<16xi32>
        %slice3A = vector.extract_strided_slice %exp3A {offsets = [0], sizes = [1], strides = [1]} : vector<16xf32> to vector<1xf32>
        %squeeze3A = vector.extract %slice3A[0] : f32 from vector<1xf32>
        %slice3A_131 = vector.extract_strided_slice %exp3A {offsets = [1], sizes = [1], strides = [1]} : vector<16xf32> to vector<1xf32>
        %squeeze3A_132 = vector.extract %slice3A_131[0] : f32 from vector<1xf32>
        %broadcast_in_dim3A = vector.broadcast %squeeze3A : f32 to vector<16xf32>
        %broadcast_in_dim3A_133 = vector.broadcast %squeeze3A_132 : f32 to vector<16xf32>
        %select_n3A_134 = arith.select %lt3A_130, %broadcast_in_dim3A, %broadcast_in_dim3A_133 : vector<16xi1>, vector<16xf32>
        %mul3A_135 = arith.mulf %unpack3A, %select_n3A_134 : vector<16xf32>
        %mul3A_136 = arith.mulf %unpack3A_127, %select_n3A_134 : vector<16xf32>
        %pack3A = tpu.pack_subelements %mul3A_135, %mul3A_136 {pack_format = #tpu.pack_format<interleaved>, positions = array<i32: 0, 1>} : vector<16xf32>, vector<16xf32> -> vector<32xbf16>
        %swap3A_137 = arith.index_cast %add3A_104 : i32 to index
        %swap3A_138 = arith.constant 0 : index
        %swap3A_139 = tpu.vector_load %arg20[%swap3A_137, %swap3A_138] {strides = array<i32>} : memref<128x128xbf16, #tpu.memory_space<vmem>>, vector<32xbf16>,
        tpu.vector_store %arg20[%swap3A_137, %swap3A_138], %pack3A {strides = array<i32>} : memref<128x128xbf16, #tpu.memory_space<vmem>>, vector<32xbf16>,
        %get3A_140 = arith.index_cast %add3A_104 : i32 to index
        %get3A_141 = arith.constant 32 : index
        %get3A_142 = tpu.vector_load %arg20[%get3A_140, %get3A_141] {strides = array<i32>} : memref<128x128xbf16, #tpu.memory_space<vmem>>, vector<32xbf16>,
        %unpack3A_143 = tpu.unpack_subelements %get3A_142, 0 {pack_format = #tpu.pack_format<interleaved>} : vector<32xbf16> -> vector<16xf32>
        %unpack3A_144 = tpu.unpack_subelements %get3A_142, 1 {pack_format = #tpu.pack_format<interleaved>} : vector<32xbf16> -> vector<16xf32>
        %lt3A_145 = arith.constant 8 : i32
        %lt3A_146 = vector.broadcast %lt3A_145 : i32 to vector<16xi32>
        %lt3A_147 = arith.cmpi slt, %iota3A, %lt3A_146 : vector<16xi32>
        %slice3A_148 = vector.extract_strided_slice %exp3A {offsets = [2], sizes = [1], strides = [1]} : vector<16xf32> to vector<1xf32>
        %squeeze3A_149 = vector.extract %slice3A_148[0] : f32 from vector<1xf32>
        %slice3A_150 = vector.extract_strided_slice %exp3A {offsets = [3], sizes = [1], strides = [1]} : vector<16xf32> to vector<1xf32>
        %squeeze3A_151 = vector.extract %slice3A_150[0] : f32 from vector<1xf32>
        %broadcast_in_dim3A_152 = vector.broadcast %squeeze3A_149 : f32 to vector<16xf32>
        %broadcast_in_dim3A_153 = vector.broadcast %squeeze3A_151 : f32 to vector<16xf32>
        %select_n3A_154 = arith.select %lt3A_147, %broadcast_in_dim3A_152, %broadcast_in_dim3A_153 : vector<16xi1>, vector<16xf32>
        %mul3A_155 = arith.mulf %unpack3A_143, %select_n3A_154 : vector<16xf32>
        %mul3A_156 = arith.mulf %unpack3A_144, %select_n3A_154 : vector<16xf32>
        %pack3A_157 = tpu.pack_subelements %mul3A_155, %mul3A_156 {pack_format = #tpu.pack_format<interleaved>, positions = array<i32: 0, 1>} : vector<16xf32>, vector<16xf32> -> vector<32xbf16>
        %swap3A_158 = arith.index_cast %add3A_104 : i32 to index
        %swap3A_159 = arith.constant 32 : index
        %swap3A_160 = tpu.vector_load %arg20[%swap3A_158, %swap3A_159] {strides = array<i32>} : memref<128x128xbf16, #tpu.memory_space<vmem>>, vector<32xbf16>,
        tpu.vector_store %arg20[%swap3A_158, %swap3A_159], %pack3A_157 {strides = array<i32>} : memref<128x128xbf16, #tpu.memory_space<vmem>>, vector<32xbf16>,
        %get3A_161 = arith.index_cast %add3A_104 : i32 to index
        %get3A_162 = arith.constant 64 : index
        %get3A_163 = tpu.vector_load %arg20[%get3A_161, %get3A_162] {strides = array<i32>} : memref<128x128xbf16, #tpu.memory_space<vmem>>, vector<32xbf16>,
        %unpack3A_164 = tpu.unpack_subelements %get3A_163, 0 {pack_format = #tpu.pack_format<interleaved>} : vector<32xbf16> -> vector<16xf32>
        %unpack3A_165 = tpu.unpack_subelements %get3A_163, 1 {pack_format = #tpu.pack_format<interleaved>} : vector<32xbf16> -> vector<16xf32>
        %lt3A_166 = arith.constant 8 : i32
        %lt3A_167 = vector.broadcast %lt3A_166 : i32 to vector<16xi32>
        %lt3A_168 = arith.cmpi slt, %iota3A, %lt3A_167 : vector<16xi32>
        %slice3A_169 = vector.extract_strided_slice %exp3A {offsets = [4], sizes = [1], strides = [1]} : vector<16xf32> to vector<1xf32>
        %squeeze3A_170 = vector.extract %slice3A_169[0] : f32 from vector<1xf32>
        %slice3A_171 = vector.extract_strided_slice %exp3A {offsets = [5], sizes = [1], strides = [1]} : vector<16xf32> to vector<1xf32>
        %squeeze3A_172 = vector.extract %slice3A_171[0] : f32 from vector<1xf32>
        %broadcast_in_dim3A_173 = vector.broadcast %squeeze3A_170 : f32 to vector<16xf32>
        %broadcast_in_dim3A_174 = vector.broadcast %squeeze3A_172 : f32 to vector<16xf32>
        %select_n3A_175 = arith.select %lt3A_168, %broadcast_in_dim3A_173, %broadcast_in_dim3A_174 : vector<16xi1>, vector<16xf32>
        %mul3A_176 = arith.mulf %unpack3A_164, %select_n3A_175 : vector<16xf32>
        %mul3A_177 = arith.mulf %unpack3A_165, %select_n3A_175 : vector<16xf32>
        %pack3A_178 = tpu.pack_subelements %mul3A_176, %mul3A_177 {pack_format = #tpu.pack_format<interleaved>, positions = array<i32: 0, 1>} : vector<16xf32>, vector<16xf32> -> vector<32xbf16>
        %swap3A_179 = arith.index_cast %add3A_104 : i32 to index
        %swap3A_180 = arith.constant 64 : index
        %swap3A_181 = tpu.vector_load %arg20[%swap3A_179, %swap3A_180] {strides = array<i32>} : memref<128x128xbf16, #tpu.memory_space<vmem>>, vector<32xbf16>,
        tpu.vector_store %arg20[%swap3A_179, %swap3A_180], %pack3A_178 {strides = array<i32>} : memref<128x128xbf16, #tpu.memory_space<vmem>>, vector<32xbf16>,
        %get3A_182 = arith.index_cast %add3A_104 : i32 to index
        %get3A_183 = arith.constant 96 : index
        %get3A_184 = tpu.vector_load %arg20[%get3A_182, %get3A_183] {strides = array<i32>} : memref<128x128xbf16, #tpu.memory_space<vmem>>, vector<32xbf16>,
        %unpack3A_185 = tpu.unpack_subelements %get3A_184, 0 {pack_format = #tpu.pack_format<interleaved>} : vector<32xbf16> -> vector<16xf32>
        %unpack3A_186 = tpu.unpack_subelements %get3A_184, 1 {pack_format = #tpu.pack_format<interleaved>} : vector<32xbf16> -> vector<16xf32>
        %lt3A_187 = arith.constant 8 : i32
        %lt3A_188 = vector.broadcast %lt3A_187 : i32 to vector<16xi32>
        %lt3A_189 = arith.cmpi slt, %iota3A, %lt3A_188 : vector<16xi32>
        %slice3A_190 = vector.extract_strided_slice %exp3A {offsets = [6], sizes = [1], strides = [1]} : vector<16xf32> to vector<1xf32>
        %squeeze3A_191 = vector.extract %slice3A_190[0] : f32 from vector<1xf32>
        %slice3A_192 = vector.extract_strided_slice %exp3A {offsets = [7], sizes = [1], strides = [1]} : vector<16xf32> to vector<1xf32>
        %squeeze3A_193 = vector.extract %slice3A_192[0] : f32 from vector<1xf32>
        %broadcast_in_dim3A_194 = vector.broadcast %squeeze3A_191 : f32 to vector<16xf32>
        %broadcast_in_dim3A_195 = vector.broadcast %squeeze3A_193 : f32 to vector<16xf32>
        %select_n3A_196 = arith.select %lt3A_189, %broadcast_in_dim3A_194, %broadcast_in_dim3A_195 : vector<16xi1>, vector<16xf32>
        %mul3A_197 = arith.mulf %unpack3A_185, %select_n3A_196 : vector<16xf32>
        %mul3A_198 = arith.mulf %unpack3A_186, %select_n3A_196 : vector<16xf32>
        %pack3A_199 = tpu.pack_subelements %mul3A_197, %mul3A_198 {pack_format = #tpu.pack_format<interleaved>, positions = array<i32: 0, 1>} : vector<16xf32>, vector<16xf32> -> vector<32xbf16>
        %swap3A_200 = arith.index_cast %add3A_104 : i32 to index
        %swap3A_201 = arith.constant 96 : index
        %swap3A_202 = tpu.vector_load %arg20[%swap3A_200, %swap3A_201] {strides = array<i32>} : memref<128x128xbf16, #tpu.memory_space<vmem>>, vector<32xbf16>,
        tpu.vector_store %arg20[%swap3A_200, %swap3A_201], %pack3A_199 {strides = array<i32>} : memref<128x128xbf16, #tpu.memory_space<vmem>>, vector<32xbf16>,
      }
      %scan3A_58 = arith.constant 128 : i32
      %dma_start3A_59 = arith.constant 0 : i32
      %dma_start3A_60 = arith.constant 0 : i32
      %dma_start3A_61 = tpu.memref_slice %arg27[%dma_start3A_59, %dma_start3A_60] : memref<10016x16xf32, #tpu.memory_space<vmem_shared>> -> memref<10016x16xf32, #tpu.memory_space<vmem_shared>>
      tpu.enqueue_indirect_dma source(%arg18 : memref<128x16xf32, #tpu.memory_space<vmem>>) target(%dma_start3A_61 : memref<10016x16xf32, #tpu.memory_space<vmem_shared>>) offsets(%arg12 : memref<128xi32, #tpu.memory_space<vmem>>) semaphore(%arg24 : memref<!tpu.dma_semaphore, #tpu.memory_space<semaphore_mem>>) {add = true}
      %dma_start3A_62 = arith.constant 0 : i32
      %dma_start3A_63 = arith.constant 0 : i32
      %dma_start3A_64 = tpu.memref_slice %arg26[%dma_start3A_62, %dma_start3A_63] : memref<10016x128xbf16, #tpu.memory_space<vmem_shared>> -> memref<10016x128xbf16, #tpu.memory_space<vmem_shared>>
      tpu.enqueue_indirect_dma source(%arg20 : memref<128x128xbf16, #tpu.memory_space<vmem>>) target(%dma_start3A_64 : memref<10016x128xbf16, #tpu.memory_space<vmem_shared>>) offsets(%arg12 : memref<128xi32, #tpu.memory_space<vmem>>) semaphore(%arg24 : memref<!tpu.dma_semaphore, #tpu.memory_space<semaphore_mem>>) {add = true}
      %mul3A_65 = arith.constant 2 : i32
      %mul3A_66 = arith.muli %mul3A_65, %add3A_34 : i32
      %add3A_67 = arith.constant 1 : i32
      %add3A_68 = arith.addi %mul3A_66, %add3A_67 : i32
      %dma_wait3A_69 = arith.constant 0 : i32
      %dma_wait3A_70 = arith.constant 0 : i32
      %dma_wait3A_71 = tpu.memref_slice %arg3[%dma_wait3A_69, %dma_wait3A_70] : memref<10112x16xf32, #tpu.memory_space<hbm>> -> memref<10112x16xf32, #tpu.memory_space<hbm>>
      tpu.wait_indirect_dma semaphore(%arg23 : memref<!tpu.dma_semaphore, #tpu.memory_space<semaphore_mem>>) src(%dma_wait3A_71 : memref<10112x16xf32, #tpu.memory_space<hbm>>) dst(%arg15 : memref<128x16xf32, #tpu.memory_space<vmem>>)
      %dma_wait3A_72 = arith.constant 0 : i32
      %dma_wait3A_73 = arith.constant 0 : i32
      %dma_wait3A_74 = tpu.memref_slice %arg3[%dma_wait3A_72, %dma_wait3A_73] : memref<10112x16xf32, #tpu.memory_space<hbm>> -> memref<10112x16xf32, #tpu.memory_space<hbm>>
      tpu.wait_indirect_dma semaphore(%arg23 : memref<!tpu.dma_semaphore, #tpu.memory_space<semaphore_mem>>) src(%dma_wait3A_74 : memref<10112x16xf32, #tpu.memory_space<hbm>>) dst(%arg17 : memref<128x16xf32, #tpu.memory_space<vmem>>)
      %dma_wait3A_75 = arith.constant 0 : i32
      %dma_wait3A_76 = arith.constant 0 : i32
      %dma_wait3A_77 = tpu.memref_slice %arg4[%dma_wait3A_75, %dma_wait3A_76] : memref<10112x128xbf16, #tpu.memory_space<hbm>> -> memref<10112x128xbf16, #tpu.memory_space<hbm>>
      tpu.wait_indirect_dma semaphore(%arg23 : memref<!tpu.dma_semaphore, #tpu.memory_space<semaphore_mem>>) src(%dma_wait3A_77 : memref<10112x128xbf16, #tpu.memory_space<hbm>>) dst(%arg21 : memref<128x128xbf16, #tpu.memory_space<vmem>>)
      %ge3A_78 = arith.constant 1 : i32
      %ge3A_79 = arith.cmpi sge, %add3A_68, %ge3A_78 : i32
      %convert_element_type3A_80 = arith.extui %ge3A_79 : i1 to i32
      %cond3A_81 = arith.constant 0 : i32
      %cond3A_82 = arith.cmpi ne, %convert_element_type3A_80, %cond3A_81 : i32
      scf.if %cond3A_82 {
        %dma_wait3A_100 = arith.constant 0 : i32
        %dma_wait3A_101 = arith.constant 0 : i32
        %dma_wait3A_102 = tpu.memref_slice %arg27[%dma_wait3A_100, %dma_wait3A_101] : memref<10016x16xf32, #tpu.memory_space<vmem_shared>> -> memref<10016x16xf32, #tpu.memory_space<vmem_shared>>
        tpu.wait_indirect_dma semaphore(%arg24 : memref<!tpu.dma_semaphore, #tpu.memory_space<semaphore_mem>>) src(%arg18 : memref<128x16xf32, #tpu.memory_space<vmem>>) dst(%dma_wait3A_102 : memref<10016x16xf32, #tpu.memory_space<vmem_shared>>)
        %dma_wait3A_103 = arith.constant 0 : i32
        %dma_wait3A_104 = arith.constant 0 : i32
        %dma_wait3A_105 = tpu.memref_slice %arg26[%dma_wait3A_103, %dma_wait3A_104] : memref<10016x128xbf16, #tpu.memory_space<vmem_shared>> -> memref<10016x128xbf16, #tpu.memory_space<vmem_shared>>
        tpu.wait_indirect_dma semaphore(%arg24 : memref<!tpu.dma_semaphore, #tpu.memory_space<semaphore_mem>>) src(%arg20 : memref<128x128xbf16, #tpu.memory_space<vmem>>) dst(%dma_wait3A_105 : memref<10016x128xbf16, #tpu.memory_space<vmem_shared>>)
      } else {
      }
      %lt3A_83 = arith.constant 79 : i32
      %lt3A_84 = arith.cmpi slt, %add3A_68, %lt3A_83 : i32
      %convert_element_type3A_85 = arith.extui %lt3A_84 : i1 to i32
      %cond3A_86 = arith.constant 0 : i32
      %cond3A_87 = arith.cmpi ne, %convert_element_type3A_85, %cond3A_86 : i32
      scf.if %cond3A_87 {
        %add3A_100 = arith.constant 1 : i32
        %add3A_101 = arith.addi %add3A_68, %add3A_100 : i32
        %rem3A = arith.constant 10 : i32
        %rem3A_102 = arith.remsi %add3A_101, %rem3A : i32
        %eq3A = arith.constant 0 : i32
        %eq3A_103 = arith.cmpi eq, %rem3A_102, %eq3A : i32
        %convert_element_type3A_104 = arith.extui %eq3A_103 : i1 to i32
        %cond3A_105 = arith.constant 0 : i32
        %cond3A_106 = arith.cmpi ne, %convert_element_type3A_104, %cond3A_105 : i32
        scf.if %cond3A_106 {
          %mul3A_121 = arith.constant 128 : i32
          %mul3A_122 = arith.muli %add3A_101, %mul3A_121 : i32
          %add3A_123 = arith.addi %mul3A_4, %mul3A_122 : i32
          "tpu.region"() ({
            %run_scoped3A = tpu.sem_alloc : memref<!tpu.dma_semaphore, #tpu.memory_space<semaphore_mem>>
            %dma_start3A_124 = tpu.memref_slice %arg2[%add3A_123] : memref<327680xi32, #tpu.memory_space<hbm>> -> memref<1280xi32, #tpu.memory_space<hbm>>
            %dma_start3A_125 = tpu.memref_slice %arg2[%add3A_123] : memref<327680xi32, #tpu.memory_space<hbm>> -> memref<1280xi32, #tpu.memory_space<hbm>>
            tpu.enqueue_dma source(%dma_start3A_125 : memref<1280xi32, #tpu.memory_space<hbm>>) target(%arg9 : memref<1280xi32, #tpu.memory_space<vmem>>) target_semaphore(%run_scoped3A : memref<!tpu.dma_semaphore, #tpu.memory_space<semaphore_mem>>)
            %dma_wait3A_126 = tpu.memref_slice %arg2[%add3A_123] : memref<327680xi32, #tpu.memory_space<hbm>> -> memref<1280xi32, #tpu.memory_space<hbm>>
            %dma_wait3A_127 = tpu.memref_slice %arg2[%add3A_123] : memref<327680xi32, #tpu.memory_space<hbm>> -> memref<1280xi32, #tpu.memory_space<hbm>>
            tpu.wait_dma2 semaphore(%run_scoped3A : memref<!tpu.dma_semaphore, #tpu.memory_space<semaphore_mem>>) src(%dma_wait3A_127 : memref<1280xi32, #tpu.memory_space<hbm>>) dst(%arg9 : memref<1280xi32, #tpu.memory_space<vmem>>)
            tpu.yield
          }) : () -> ()
        } else {
        }
        %scan3A_107 = arith.constant 0 : i32
        %scan3A_108 = arith.constant 8 : i32
        %scan3A_109 = arith.addi %scan3A_107, %scan3A_108 : i32
        %scan3A_110 = arith.constant 1 : i32
        scf.for %scan3A_121 = %scan3A_107 to %scan3A_109 step %scan3A_110  : i32 {
          %mul3A_122 = arith.constant 1 : i32
          %mul3A_123 = arith.muli %scan3A_121, %mul3A_122 : i32
          %add3A_124 = arith.constant 0 : i32
          %add3A_125 = arith.addi %add3A_124, %mul3A_123 : i32
          %mul3A_126 = arith.constant 128 : i32
          %mul3A_127 = arith.muli %rem3A_102, %mul3A_126 : i32
          %mul3A_128 = arith.constant 16 : i32
          %mul3A_129 = arith.muli %add3A_125, %mul3A_128 : i32
          %add3A_130 = arith.addi %mul3A_127, %mul3A_129 : i32
          %get3A = arith.index_cast %add3A_130 : i32 to index
          %get3A_131 = tpu.vector_load %arg9[%get3A] {strides = array<i32>} : memref<1280xi32, #tpu.memory_space<vmem>>, vector<16xi32>,
          %and3A = arith.constant 16383 : i32
          %and3A_132 = vector.broadcast %and3A : i32 to vector<16xi32>
          %and3A_133 = arith.andi %get3A_131, %and3A_132 : vector<16xi32>
          %mul3A_134 = arith.constant 16 : i32
          %mul3A_135 = arith.muli %add3A_125, %mul3A_134 : i32
          %swap3A = arith.index_cast %mul3A_135 : i32 to index
          %swap3A_136 = tpu.vector_load %arg10[%swap3A] {strides = array<i32>} : memref<128xi32, #tpu.memory_space<vmem>>, vector<16xi32>,
          tpu.vector_store %arg10[%swap3A], %and3A_133 {strides = array<i32>} : memref<128xi32, #tpu.memory_space<vmem>>, vector<16xi32>,
          %shift_right_arithmetic3A = arith.constant 14 : i32
          %shift_right_arithmetic3A_137 = vector.broadcast %shift_right_arithmetic3A : i32 to vector<16xi32>
          %shift_right_arithmetic3A_138 = arith.shrsi %get3A_131, %shift_right_arithmetic3A_137 : vector<16xi32>
          %mul3A_139 = arith.constant 16 : i32
          %mul3A_140 = arith.muli %add3A_125, %mul3A_139 : i32
          %swap3A_141 = arith.index_cast %mul3A_140 : i32 to index
          %swap3A_142 = tpu.vector_load %arg12[%swap3A_141] {strides = array<i32>} : memref<128xi32, #tpu.memory_space<vmem>>, vector<16xi32>,
          tpu.vector_store %arg12[%swap3A_141], %shift_right_arithmetic3A_138 {strides = array<i32>} : memref<128xi32, #tpu.memory_space<vmem>>, vector<16xi32>,
        }
        %scan3A_111 = arith.constant 8 : i32
        %dma_start3A_112 = arith.constant 0 : i32
        %dma_start3A_113 = arith.constant 0 : i32
        %dma_start3A_114 = tpu.memref_slice %arg3[%dma_start3A_112, %dma_start3A_113] : memref<10112x16xf32, #tpu.memory_space<hbm>> -> memref<10112x16xf32, #tpu.memory_space<hbm>>
        tpu.enqueue_indirect_dma source(%dma_start3A_114 : memref<10112x16xf32, #tpu.memory_space<hbm>>) target(%arg14 : memref<128x16xf32, #tpu.memory_space<vmem>>) offsets(%arg10 : memref<128xi32, #tpu.memory_space<vmem>>) semaphore(%arg22 : memref<!tpu.dma_semaphore, #tpu.memory_space<semaphore_mem>>)
        %dma_start3A_115 = arith.constant 0 : i32
        %dma_start3A_116 = arith.constant 0 : i32
        %dma_start3A_117 = tpu.memref_slice %arg3[%dma_start3A_115, %dma_start3A_116] : memref<10112x16xf32, #tpu.memory_space<hbm>> -> memref<10112x16xf32, #tpu.memory_space<hbm>>
        tpu.enqueue_indirect_dma source(%dma_start3A_117 : memref<10112x16xf32, #tpu.memory_space<hbm>>) target(%arg16 : memref<128x16xf32, #tpu.memory_space<vmem>>) offsets(%arg12 : memref<128xi32, #tpu.memory_space<vmem>>) semaphore(%arg22 : memref<!tpu.dma_semaphore, #tpu.memory_space<semaphore_mem>>)
        %dma_start3A_118 = arith.constant 0 : i32
        %dma_start3A_119 = arith.constant 0 : i32
        %dma_start3A_120 = tpu.memref_slice %arg4[%dma_start3A_118, %dma_start3A_119] : memref<10112x128xbf16, #tpu.memory_space<hbm>> -> memref<10112x128xbf16, #tpu.memory_space<hbm>>
        tpu.enqueue_indirect_dma source(%dma_start3A_120 : memref<10112x128xbf16, #tpu.memory_space<hbm>>) target(%arg20 : memref<128x128xbf16, #tpu.memory_space<vmem>>) offsets(%arg10 : memref<128xi32, #tpu.memory_space<vmem>>) semaphore(%arg22 : memref<!tpu.dma_semaphore, #tpu.memory_space<semaphore_mem>>)
      } else {
      }
      %iota3A_88 = tpu.iota {dimensions = array<i32: 0>} : vector<16xi32>
      %scan3A_89 = arith.constant 0 : i32
      %scan3A_90 = arith.constant 128 : i32
      %scan3A_91 = arith.addi %scan3A_89, %scan3A_90 : i32
      %scan3A_92 = arith.constant 1 : i32
      scf.for %scan3A_100 = %scan3A_89 to %scan3A_91 step %scan3A_92  : i32 {
        %mul3A_101 = arith.constant 1 : i32
        %mul3A_102 = arith.muli %scan3A_100, %mul3A_101 : i32
        %add3A_103 = arith.constant 0 : i32
        %add3A_104 = arith.addi %add3A_103, %mul3A_102 : i32
        %get3A = arith.index_cast %add3A_104 : i32 to index
        %get3A_105 = arith.constant 0 : index
        %get3A_106 = tpu.vector_load %arg15[%get3A, %get3A_105] {strides = array<i32>} : memref<128x16xf32, #tpu.memory_space<vmem>>, vector<16xf32>,
        %get3A_107 = arith.index_cast %add3A_104 : i32 to index
        %get3A_108 = arith.constant 0 : index
        %get3A_109 = tpu.vector_load %arg17[%get3A_107, %get3A_108] {strides = array<i32>} : memref<128x16xf32, #tpu.memory_space<vmem>>, vector<16xf32>,
        %iota3A_110 = tpu.iota {dimensions = array<i32: 0>} : vector<16xi32>
        %lt3A_111 = arith.constant 8 : i32
        %lt3A_112 = vector.broadcast %lt3A_111 : i32 to vector<16xi32>
        %lt3A_113 = arith.cmpi slt, %iota3A_110, %lt3A_112 : vector<16xi32>
        %select_n3A = arith.select %lt3A_113, %get3A_106, %get3A_109 : vector<16xi1>, vector<16xf32>
        %rev3A = arith.constant 15 : i32
        %rev3A_114 = vector.broadcast %rev3A : i32 to vector<16xi32>
        %rev3A_115 = tpu.iota {dimensions = array<i32: 0>} : vector<16xi32>
        %rev3A_116 = arith.subi %rev3A_114, %rev3A_115 : vector<16xi32>
        %rev3A_117 = tpu.dynamic_gather %select_n3A[%rev3A_116] in [0] : vector<16xf32>, vector<16xi32> -> vector<16xf32>
        %add3A_118 = arith.addf %select_n3A, %rev3A_117 : vector<16xf32>
        %mul3A_119 = arith.constant 2.000000e-01 : f32
        %mul3A_120 = vector.broadcast %mul3A_119 : f32 to vector<16xf32>
        %mul3A_121 = arith.mulf %mul3A_120, %add3A_118 : vector<16xf32>
        %max3A = arith.maximumf %add3A_118, %mul3A_121 : vector<16xf32>
        %exp3A = math.exp %max3A : vector<16xf32>
        %swap3A = arith.index_cast %add3A_104 : i32 to index
        %swap3A_122 = arith.constant 0 : index
        %swap3A_123 = tpu.vector_load %arg19[%swap3A, %swap3A_122] {strides = array<i32>} : memref<128x16xf32, #tpu.memory_space<vmem>>, vector<16xf32>,
        tpu.vector_store %arg19[%swap3A, %swap3A_122], %exp3A {strides = array<i32>} : memref<128x16xf32, #tpu.memory_space<vmem>>, vector<16xf32>,
        %get3A_124 = arith.index_cast %add3A_104 : i32 to index
        %get3A_125 = arith.constant 0 : index
        %get3A_126 = tpu.vector_load %arg21[%get3A_124, %get3A_125] {strides = array<i32>} : memref<128x128xbf16, #tpu.memory_space<vmem>>, vector<32xbf16>,
        %unpack3A = tpu.unpack_subelements %get3A_126, 0 {pack_format = #tpu.pack_format<interleaved>} : vector<32xbf16> -> vector<16xf32>
        %unpack3A_127 = tpu.unpack_subelements %get3A_126, 1 {pack_format = #tpu.pack_format<interleaved>} : vector<32xbf16> -> vector<16xf32>
        %lt3A_128 = arith.constant 8 : i32
        %lt3A_129 = vector.broadcast %lt3A_128 : i32 to vector<16xi32>
        %lt3A_130 = arith.cmpi slt, %iota3A_88, %lt3A_129 : vector<16xi32>
        %slice3A = vector.extract_strided_slice %exp3A {offsets = [0], sizes = [1], strides = [1]} : vector<16xf32> to vector<1xf32>
        %squeeze3A = vector.extract %slice3A[0] : f32 from vector<1xf32>
        %slice3A_131 = vector.extract_strided_slice %exp3A {offsets = [1], sizes = [1], strides = [1]} : vector<16xf32> to vector<1xf32>
        %squeeze3A_132 = vector.extract %slice3A_131[0] : f32 from vector<1xf32>
        %broadcast_in_dim3A = vector.broadcast %squeeze3A : f32 to vector<16xf32>
        %broadcast_in_dim3A_133 = vector.broadcast %squeeze3A_132 : f32 to vector<16xf32>
        %select_n3A_134 = arith.select %lt3A_130, %broadcast_in_dim3A, %broadcast_in_dim3A_133 : vector<16xi1>, vector<16xf32>
        %mul3A_135 = arith.mulf %unpack3A, %select_n3A_134 : vector<16xf32>
        %mul3A_136 = arith.mulf %unpack3A_127, %select_n3A_134 : vector<16xf32>
        %pack3A = tpu.pack_subelements %mul3A_135, %mul3A_136 {pack_format = #tpu.pack_format<interleaved>, positions = array<i32: 0, 1>} : vector<16xf32>, vector<16xf32> -> vector<32xbf16>
        %swap3A_137 = arith.index_cast %add3A_104 : i32 to index
        %swap3A_138 = arith.constant 0 : index
        %swap3A_139 = tpu.vector_load %arg21[%swap3A_137, %swap3A_138] {strides = array<i32>} : memref<128x128xbf16, #tpu.memory_space<vmem>>, vector<32xbf16>,
        tpu.vector_store %arg21[%swap3A_137, %swap3A_138], %pack3A {strides = array<i32>} : memref<128x128xbf16, #tpu.memory_space<vmem>>, vector<32xbf16>,
        %get3A_140 = arith.index_cast %add3A_104 : i32 to index
        %get3A_141 = arith.constant 32 : index
        %get3A_142 = tpu.vector_load %arg21[%get3A_140, %get3A_141] {strides = array<i32>} : memref<128x128xbf16, #tpu.memory_space<vmem>>, vector<32xbf16>,
        %unpack3A_143 = tpu.unpack_subelements %get3A_142, 0 {pack_format = #tpu.pack_format<interleaved>} : vector<32xbf16> -> vector<16xf32>
        %unpack3A_144 = tpu.unpack_subelements %get3A_142, 1 {pack_format = #tpu.pack_format<interleaved>} : vector<32xbf16> -> vector<16xf32>
        %lt3A_145 = arith.constant 8 : i32
        %lt3A_146 = vector.broadcast %lt3A_145 : i32 to vector<16xi32>
        %lt3A_147 = arith.cmpi slt, %iota3A_88, %lt3A_146 : vector<16xi32>
        %slice3A_148 = vector.extract_strided_slice %exp3A {offsets = [2], sizes = [1], strides = [1]} : vector<16xf32> to vector<1xf32>
        %squeeze3A_149 = vector.extract %slice3A_148[0] : f32 from vector<1xf32>
        %slice3A_150 = vector.extract_strided_slice %exp3A {offsets = [3], sizes = [1], strides = [1]} : vector<16xf32> to vector<1xf32>
        %squeeze3A_151 = vector.extract %slice3A_150[0] : f32 from vector<1xf32>
        %broadcast_in_dim3A_152 = vector.broadcast %squeeze3A_149 : f32 to vector<16xf32>
        %broadcast_in_dim3A_153 = vector.broadcast %squeeze3A_151 : f32 to vector<16xf32>
        %select_n3A_154 = arith.select %lt3A_147, %broadcast_in_dim3A_152, %broadcast_in_dim3A_153 : vector<16xi1>, vector<16xf32>
        %mul3A_155 = arith.mulf %unpack3A_143, %select_n3A_154 : vector<16xf32>
        %mul3A_156 = arith.mulf %unpack3A_144, %select_n3A_154 : vector<16xf32>
        %pack3A_157 = tpu.pack_subelements %mul3A_155, %mul3A_156 {pack_format = #tpu.pack_format<interleaved>, positions = array<i32: 0, 1>} : vector<16xf32>, vector<16xf32> -> vector<32xbf16>
        %swap3A_158 = arith.index_cast %add3A_104 : i32 to index
        %swap3A_159 = arith.constant 32 : index
        %swap3A_160 = tpu.vector_load %arg21[%swap3A_158, %swap3A_159] {strides = array<i32>} : memref<128x128xbf16, #tpu.memory_space<vmem>>, vector<32xbf16>,
        tpu.vector_store %arg21[%swap3A_158, %swap3A_159], %pack3A_157 {strides = array<i32>} : memref<128x128xbf16, #tpu.memory_space<vmem>>, vector<32xbf16>,
        %get3A_161 = arith.index_cast %add3A_104 : i32 to index
        %get3A_162 = arith.constant 64 : index
        %get3A_163 = tpu.vector_load %arg21[%get3A_161, %get3A_162] {strides = array<i32>} : memref<128x128xbf16, #tpu.memory_space<vmem>>, vector<32xbf16>,
        %unpack3A_164 = tpu.unpack_subelements %get3A_163, 0 {pack_format = #tpu.pack_format<interleaved>} : vector<32xbf16> -> vector<16xf32>
        %unpack3A_165 = tpu.unpack_subelements %get3A_163, 1 {pack_format = #tpu.pack_format<interleaved>} : vector<32xbf16> -> vector<16xf32>
        %lt3A_166 = arith.constant 8 : i32
        %lt3A_167 = vector.broadcast %lt3A_166 : i32 to vector<16xi32>
        %lt3A_168 = arith.cmpi slt, %iota3A_88, %lt3A_167 : vector<16xi32>
        %slice3A_169 = vector.extract_strided_slice %exp3A {offsets = [4], sizes = [1], strides = [1]} : vector<16xf32> to vector<1xf32>
        %squeeze3A_170 = vector.extract %slice3A_169[0] : f32 from vector<1xf32>
        %slice3A_171 = vector.extract_strided_slice %exp3A {offsets = [5], sizes = [1], strides = [1]} : vector<16xf32> to vector<1xf32>
        %squeeze3A_172 = vector.extract %slice3A_171[0] : f32 from vector<1xf32>
        %broadcast_in_dim3A_173 = vector.broadcast %squeeze3A_170 : f32 to vector<16xf32>
        %broadcast_in_dim3A_174 = vector.broadcast %squeeze3A_172 : f32 to vector<16xf32>
        %select_n3A_175 = arith.select %lt3A_168, %broadcast_in_dim3A_173, %broadcast_in_dim3A_174 : vector<16xi1>, vector<16xf32>
        %mul3A_176 = arith.mulf %unpack3A_164, %select_n3A_175 : vector<16xf32>
        %mul3A_177 = arith.mulf %unpack3A_165, %select_n3A_175 : vector<16xf32>
        %pack3A_178 = tpu.pack_subelements %mul3A_176, %mul3A_177 {pack_format = #tpu.pack_format<interleaved>, positions = array<i32: 0, 1>} : vector<16xf32>, vector<16xf32> -> vector<32xbf16>
        %swap3A_179 = arith.index_cast %add3A_104 : i32 to index
        %swap3A_180 = arith.constant 64 : index
        %swap3A_181 = tpu.vector_load %arg21[%swap3A_179, %swap3A_180] {strides = array<i32>} : memref<128x128xbf16, #tpu.memory_space<vmem>>, vector<32xbf16>,
        tpu.vector_store %arg21[%swap3A_179, %swap3A_180], %pack3A_178 {strides = array<i32>} : memref<128x128xbf16, #tpu.memory_space<vmem>>, vector<32xbf16>,
        %get3A_182 = arith.index_cast %add3A_104 : i32 to index
        %get3A_183 = arith.constant 96 : index
        %get3A_184 = tpu.vector_load %arg21[%get3A_182, %get3A_183] {strides = array<i32>} : memref<128x128xbf16, #tpu.memory_space<vmem>>, vector<32xbf16>,
        %unpack3A_185 = tpu.unpack_subelements %get3A_184, 0 {pack_format = #tpu.pack_format<interleaved>} : vector<32xbf16> -> vector<16xf32>
        %unpack3A_186 = tpu.unpack_subelements %get3A_184, 1 {pack_format = #tpu.pack_format<interleaved>} : vector<32xbf16> -> vector<16xf32>
        %lt3A_187 = arith.constant 8 : i32
        %lt3A_188 = vector.broadcast %lt3A_187 : i32 to vector<16xi32>
        %lt3A_189 = arith.cmpi slt, %iota3A_88, %lt3A_188 : vector<16xi32>
        %slice3A_190 = vector.extract_strided_slice %exp3A {offsets = [6], sizes = [1], strides = [1]} : vector<16xf32> to vector<1xf32>
        %squeeze3A_191 = vector.extract %slice3A_190[0] : f32 from vector<1xf32>
        %slice3A_192 = vector.extract_strided_slice %exp3A {offsets = [7], sizes = [1], strides = [1]} : vector<16xf32> to vector<1xf32>
        %squeeze3A_193 = vector.extract %slice3A_192[0] : f32 from vector<1xf32>
        %broadcast_in_dim3A_194 = vector.broadcast %squeeze3A_191 : f32 to vector<16xf32>
        %broadcast_in_dim3A_195 = vector.broadcast %squeeze3A_193 : f32 to vector<16xf32>
        %select_n3A_196 = arith.select %lt3A_189, %broadcast_in_dim3A_194, %broadcast_in_dim3A_195 : vector<16xi1>, vector<16xf32>
        %mul3A_197 = arith.mulf %unpack3A_185, %select_n3A_196 : vector<16xf32>
        %mul3A_198 = arith.mulf %unpack3A_186, %select_n3A_196 : vector<16xf32>
        %pack3A_199 = tpu.pack_subelements %mul3A_197, %mul3A_198 {pack_format = #tpu.pack_format<interleaved>, positions = array<i32: 0, 1>} : vector<16xf32>, vector<16xf32> -> vector<32xbf16>
        %swap3A_200 = arith.index_cast %add3A_104 : i32 to index
        %swap3A_201 = arith.constant 96 : index
        %swap3A_202 = tpu.vector_load %arg21[%swap3A_200, %swap3A_201] {strides = array<i32>} : memref<128x128xbf16, #tpu.memory_space<vmem>>, vector<32xbf16>,
        tpu.vector_store %arg21[%swap3A_200, %swap3A_201], %pack3A_199 {strides = array<i32>} : memref<128x128xbf16, #tpu.memory_space<vmem>>, vector<32xbf16>,
      }
      %scan3A_93 = arith.constant 128 : i32
      %dma_start3A_94 = arith.constant 0 : i32
      %dma_start3A_95 = arith.constant 0 : i32
      %dma_start3A_96 = tpu.memref_slice %arg27[%dma_start3A_94, %dma_start3A_95] : memref<10016x16xf32, #tpu.memory_space<vmem_shared>> -> memref<10016x16xf32, #tpu.memory_space<vmem_shared>>
      tpu.enqueue_indirect_dma source(%arg19 : memref<128x16xf32, #tpu.memory_space<vmem>>) target(%dma_start3A_96 : memref<10016x16xf32, #tpu.memory_space<vmem_shared>>) offsets(%arg13 : memref<128xi32, #tpu.memory_space<vmem>>) semaphore(%arg25 : memref<!tpu.dma_semaphore, #tpu.memory_space<semaphore_mem>>) {add = true}
      %dma_start3A_97 = arith.constant 0 : i32
      %dma_start3A_98 = arith.constant 0 : i32
      %dma_start3A_99 = tpu.memref_slice %arg26[%dma_start3A_97, %dma_start3A_98] : memref<10016x128xbf16, #tpu.memory_space<vmem_shared>> -> memref<10016x128xbf16, #tpu.memory_space<vmem_shared>>
      tpu.enqueue_indirect_dma source(%arg21 : memref<128x128xbf16, #tpu.memory_space<vmem>>) target(%dma_start3A_99 : memref<10016x128xbf16, #tpu.memory_space<vmem_shared>>) offsets(%arg13 : memref<128xi32, #tpu.memory_space<vmem>>) semaphore(%arg25 : memref<!tpu.dma_semaphore, #tpu.memory_space<semaphore_mem>>) {add = true}
    }
    %scan3A_23 = arith.constant 40 : i32
    %dma_wait3A = arith.constant 0 : i32
    %dma_wait3A_24 = arith.constant 0 : i32
    %dma_wait3A_25 = tpu.memref_slice %arg27[%dma_wait3A, %dma_wait3A_24] : memref<10016x16xf32, #tpu.memory_space<vmem_shared>> -> memref<10016x16xf32, #tpu.memory_space<vmem_shared>>
    tpu.wait_indirect_dma semaphore(%arg25 : memref<!tpu.dma_semaphore, #tpu.memory_space<semaphore_mem>>) src(%arg19 : memref<128x16xf32, #tpu.memory_space<vmem>>) dst(%dma_wait3A_25 : memref<10016x16xf32, #tpu.memory_space<vmem_shared>>)
    %dma_wait3A_26 = arith.constant 0 : i32
    %dma_wait3A_27 = arith.constant 0 : i32
    %dma_wait3A_28 = tpu.memref_slice %arg26[%dma_wait3A_26, %dma_wait3A_27] : memref<10016x128xbf16, #tpu.memory_space<vmem_shared>> -> memref<10016x128xbf16, #tpu.memory_space<vmem_shared>>
    tpu.wait_indirect_dma semaphore(%arg25 : memref<!tpu.dma_semaphore, #tpu.memory_space<semaphore_mem>>) src(%arg21 : memref<128x128xbf16, #tpu.memory_space<vmem>>) dst(%dma_wait3A_28 : memref<10016x128xbf16, #tpu.memory_space<vmem_shared>>)
    %barrier3A_29 = arith.constant 0 : index
    tpu.barrier barrier_id(%barrier3A_29)
    "tpu.region"() ({
      %run_scoped3A = tpu.sem_alloc : memref<!tpu.dma_semaphore, #tpu.memory_space<semaphore_mem>>
      %dma_start3A_30 = arith.constant 0 : i32
      %dma_start3A_31 = tpu.memref_slice %arg7[%arg0, %mul3A_2, %dma_start3A_30] : memref<2x10016x128xbf16, #tpu.memory_space<hbm>> -> memref<1x626x128xbf16, #tpu.memory_space<hbm>>
      %dma_start3A_32 = tpu.memref_squeeze %dma_start3A_31 : memref<1x626x128xbf16, #tpu.memory_space<hbm>> -> memref<626x128xbf16, #tpu.memory_space<hbm>>
      %dma_start3A_33 = arith.constant 0 : i32
      %dma_start3A_34 = tpu.memref_slice %arg26[%mul3A_2, %dma_start3A_33] : memref<10016x128xbf16, #tpu.memory_space<vmem_shared>> -> memref<626x128xbf16, #tpu.memory_space<vmem_shared>>
      tpu.enqueue_dma source(%dma_start3A_34 : memref<626x128xbf16, #tpu.memory_space<vmem_shared>>) target(%dma_start3A_32 : memref<626x128xbf16, #tpu.memory_space<hbm>>) target_semaphore(%run_scoped3A : memref<!tpu.dma_semaphore, #tpu.memory_space<semaphore_mem>>)
      %dma_wait3A_35 = arith.constant 0 : i32
      %dma_wait3A_36 = tpu.memref_slice %arg7[%arg0, %mul3A_2, %dma_wait3A_35] : memref<2x10016x128xbf16, #tpu.memory_space<hbm>> -> memref<1x626x128xbf16, #tpu.memory_space<hbm>>
      %dma_wait3A_37 = tpu.memref_squeeze %dma_wait3A_36 : memref<1x626x128xbf16, #tpu.memory_space<hbm>> -> memref<626x128xbf16, #tpu.memory_space<hbm>>
      %dma_wait3A_38 = arith.constant 0 : i32
      %dma_wait3A_39 = tpu.memref_slice %arg26[%mul3A_2, %dma_wait3A_38] : memref<10016x128xbf16, #tpu.memory_space<vmem_shared>> -> memref<626x128xbf16, #tpu.memory_space<vmem_shared>>
      tpu.wait_dma2 semaphore(%run_scoped3A : memref<!tpu.dma_semaphore, #tpu.memory_space<semaphore_mem>>) src(%dma_wait3A_39 : memref<626x128xbf16, #tpu.memory_space<vmem_shared>>) dst(%dma_wait3A_37 : memref<626x128xbf16, #tpu.memory_space<hbm>>)
      tpu.yield
    }) : () -> ()
    "tpu.region"() ({
      %run_scoped3A = tpu.sem_alloc : memref<!tpu.dma_semaphore, #tpu.memory_space<semaphore_mem>>
      %dma_start3A_30 = arith.constant 0 : i32
      %dma_start3A_31 = tpu.memref_slice %arg8[%arg0, %mul3A_2, %dma_start3A_30] : memref<2x10016x16xf32, #tpu.memory_space<hbm>> -> memref<1x626x16xf32, #tpu.memory_space<hbm>>
      %dma_start3A_32 = tpu.memref_squeeze %dma_start3A_31 : memref<1x626x16xf32, #tpu.memory_space<hbm>> -> memref<626x16xf32, #tpu.memory_space<hbm>>
      %dma_start3A_33 = arith.constant 0 : i32
      %dma_start3A_34 = tpu.memref_slice %arg27[%mul3A_2, %dma_start3A_33] : memref<10016x16xf32, #tpu.memory_space<vmem_shared>> -> memref<626x16xf32, #tpu.memory_space<vmem_shared>>
      tpu.enqueue_dma source(%dma_start3A_34 : memref<626x16xf32, #tpu.memory_space<vmem_shared>>) target(%dma_start3A_32 : memref<626x16xf32, #tpu.memory_space<hbm>>) target_semaphore(%run_scoped3A : memref<!tpu.dma_semaphore, #tpu.memory_space<semaphore_mem>>)
      %dma_wait3A_35 = arith.constant 0 : i32
      %dma_wait3A_36 = tpu.memref_slice %arg8[%arg0, %mul3A_2, %dma_wait3A_35] : memref<2x10016x16xf32, #tpu.memory_space<hbm>> -> memref<1x626x16xf32, #tpu.memory_space<hbm>>
      %dma_wait3A_37 = tpu.memref_squeeze %dma_wait3A_36 : memref<1x626x16xf32, #tpu.memory_space<hbm>> -> memref<626x16xf32, #tpu.memory_space<hbm>>
      %dma_wait3A_38 = arith.constant 0 : i32
      %dma_wait3A_39 = tpu.memref_slice %arg27[%mul3A_2, %dma_wait3A_38] : memref<10016x16xf32, #tpu.memory_space<vmem_shared>> -> memref<626x16xf32, #tpu.memory_space<vmem_shared>>
      tpu.wait_dma2 semaphore(%run_scoped3A : memref<!tpu.dma_semaphore, #tpu.memory_space<semaphore_mem>>) src(%dma_wait3A_39 : memref<626x16xf32, #tpu.memory_space<vmem_shared>>) dst(%dma_wait3A_37 : memref<626x16xf32, #tpu.memory_space<hbm>>)
      tpu.yield
    }) : () -> ()
    return
  }
}

module attributes {stable_mosaic.version = 14 : i64} {
  func.func @_tc_prep_body(%arg0: memref<10112x128xf32, #tpu.memory_space<vmem>>, %arg1: memref<128x128xf32, #tpu.memory_space<vmem>>, %arg2: memref<128x16xf32, #tpu.memory_space<vmem>>, %arg3: memref<10112x128xbf16, #tpu.memory_space<vmem>>, %arg4: memref<10112x16xf32, #tpu.memory_space<vmem>>) attributes {dimension_semantics = [], scalar_prefetch = 0 : i64, scratch_operands = 0 : i64, tpu.core_type = #tpu.core_type<tc>} {
    %get3A = arith.constant 0 : index
    %get3A_0 = arith.constant 0 : index
    %get3A_1 = vector.load %arg0[%get3A, %get3A_0] : memref<10112x128xf32, #tpu.memory_space<vmem>>, vector<10112x128xf32>
    %get3A_2 = arith.constant 0 : index
    %get3A_3 = arith.constant 0 : index
    %get3A_4 = vector.load %arg1[%get3A_2, %get3A_3] : memref<128x128xf32, #tpu.memory_space<vmem>>, vector<128x128xf32>
    %dot_general3A = arith.constant dense<0.000000e+00> : vector<10112x128xf32>
    %dot_general3A_5 = tpu.matmul %get3A_1, %get3A_4, %dot_general3A {dimension_numbers = #tpu.dot_dimension_numbers<[1], [0], [0], [1], [0, 0, 1, 1], [], []>, transpose_lhs_hint = false} : vector<10112x128xf32>, vector<128x128xf32>, vector<10112x128xf32> -> vector<10112x128xf32>
    %convert_element_type3A = arith.truncf %dot_general3A_5 : vector<10112x128xf32> to vector<10112x128xbf16>
    %swap3A = arith.constant 0 : index
    %swap3A_6 = arith.constant 0 : index
    %swap3A_7 = vector.load %arg3[%swap3A, %swap3A_6] : memref<10112x128xbf16, #tpu.memory_space<vmem>>, vector<10112x128xbf16>
    tpu.vector_store %arg3[%swap3A, %swap3A_6], %convert_element_type3A {strides = array<i32>} : memref<10112x128xbf16, #tpu.memory_space<vmem>>, vector<10112x128xbf16>,
    %get3A_8 = arith.constant 0 : index
    %get3A_9 = arith.constant 0 : index
    %get3A_10 = vector.load %arg2[%get3A_8, %get3A_9] : memref<128x16xf32, #tpu.memory_space<vmem>>, vector<128x16xf32>
    %dot_general3A_11 = arith.constant dense<0.000000e+00> : vector<10112x16xf32>
    %dot_general3A_12 = tpu.matmul %dot_general3A_5, %get3A_10, %dot_general3A_11 {dimension_numbers = #tpu.dot_dimension_numbers<[1], [0], [0], [1], [0, 0, 1, 1], [], []>, transpose_lhs_hint = false} : vector<10112x128xf32>, vector<128x16xf32>, vector<10112x16xf32> -> vector<10112x16xf32>
    %swap3A_13 = arith.constant 0 : index
    %swap3A_14 = arith.constant 0 : index
    %swap3A_15 = vector.load %arg4[%swap3A_13, %swap3A_14] : memref<10112x16xf32, #tpu.memory_space<vmem>>, vector<10112x16xf32>
    tpu.vector_store %arg4[%swap3A_13, %swap3A_14], %dot_general3A_12 {strides = array<i32>} : memref<10112x16xf32, #tpu.memory_space<vmem>>, vector<10112x16xf32>,
    return
  }
}

module attributes {stable_mosaic.version = 14 : i64} {
  func.func @_tc_fin_body(%arg0: memref<2x10016x128xbf16, #tpu.memory_space<vmem>>, %arg1: memref<2x10016x16xf32, #tpu.memory_space<vmem>>, %arg2: memref<16x128xf32, #tpu.memory_space<vmem>>, %arg3: memref<10016x128xf32, #tpu.memory_space<vmem>>, %arg4: memref<128x128xf32, #tpu.memory_space<vmem>>, %arg5: memref<1x128xf32, #tpu.memory_space<vmem>>, %arg6: memref<10016x128xf32, #tpu.memory_space<vmem>>) attributes {dimension_semantics = [], scalar_prefetch = 0 : i64, scratch_operands = 0 : i64, tpu.core_type = #tpu.core_type<tc>} {
    %get3A = arith.constant 0 : index
    %get3A_0 = arith.constant 0 : index
    %get3A_1 = arith.constant 0 : index
    %get3A_2 = vector.load %arg0[%get3A, %get3A_0, %get3A_1] : memref<2x10016x128xbf16, #tpu.memory_space<vmem>>, vector<1x10016x128xbf16>
    %get3A_3 = vector.shape_cast %get3A_2 : vector<1x10016x128xbf16> to vector<10016x128xbf16>
    %convert_element_type3A = arith.extf %get3A_3 : vector<10016x128xbf16> to vector<10016x128xf32>
    %get3A_4 = arith.constant 1 : index
    %get3A_5 = arith.constant 0 : index
    %get3A_6 = arith.constant 0 : index
    %get3A_7 = vector.load %arg0[%get3A_4, %get3A_5, %get3A_6] : memref<2x10016x128xbf16, #tpu.memory_space<vmem>>, vector<1x10016x128xbf16>
    %get3A_8 = vector.shape_cast %get3A_7 : vector<1x10016x128xbf16> to vector<10016x128xbf16>
    %convert_element_type3A_9 = arith.extf %get3A_8 : vector<10016x128xbf16> to vector<10016x128xf32>
    %add3A = arith.addf %convert_element_type3A, %convert_element_type3A_9 : vector<10016x128xf32>
    %get3A_10 = arith.constant 0 : index
    %get3A_11 = arith.constant 0 : index
    %get3A_12 = arith.constant 0 : index
    %get3A_13 = vector.load %arg1[%get3A_10, %get3A_11, %get3A_12] : memref<2x10016x16xf32, #tpu.memory_space<vmem>>, vector<1x10016x16xf32>
    %get3A_14 = vector.shape_cast %get3A_13 : vector<1x10016x16xf32> to vector<10016x16xf32>
    %get3A_15 = arith.constant 1 : index
    %get3A_16 = arith.constant 0 : index
    %get3A_17 = arith.constant 0 : index
    %get3A_18 = vector.load %arg1[%get3A_15, %get3A_16, %get3A_17] : memref<2x10016x16xf32, #tpu.memory_space<vmem>>, vector<1x10016x16xf32>
    %get3A_19 = vector.shape_cast %get3A_18 : vector<1x10016x16xf32> to vector<10016x16xf32>
    %add3A_20 = arith.addf %get3A_14, %get3A_19 : vector<10016x16xf32>
    %add3A_21 = arith.constant 1.000000e-16 : f32
    %add3A_22 = vector.broadcast %add3A_21 : f32 to vector<10016x16xf32>
    %add3A_23 = arith.addf %add3A_20, %add3A_22 : vector<10016x16xf32>
    %div3A = arith.constant 1.000000e+00 : f32
    %div3A_24 = vector.broadcast %div3A : f32 to vector<10016x16xf32>
    %div3A_25 = arith.divf %div3A_24, %add3A_23 : vector<10016x16xf32>
    %get3A_26 = arith.constant 0 : index
    %get3A_27 = arith.constant 0 : index
    %get3A_28 = vector.load %arg2[%get3A_26, %get3A_27] : memref<16x128xf32, #tpu.memory_space<vmem>>, vector<16x128xf32>
    %dot_general3A = arith.constant dense<0.000000e+00> : vector<10016x128xf32>
    %dot_general3A_29 = tpu.matmul %div3A_25, %get3A_28, %dot_general3A {dimension_numbers = #tpu.dot_dimension_numbers<[1], [0], [0], [1], [0, 0, 1, 1], [], []>, transpose_lhs_hint = false} : vector<10016x16xf32>, vector<16x128xf32>, vector<10016x128xf32> -> vector<10016x128xf32>
    %mul3A = arith.mulf %add3A, %dot_general3A_29 : vector<10016x128xf32>
    %get3A_30 = arith.constant 0 : index
    %get3A_31 = arith.constant 0 : index
    %get3A_32 = vector.load %arg3[%get3A_30, %get3A_31] : memref<10016x128xf32, #tpu.memory_space<vmem>>, vector<10016x128xf32>
    %get3A_33 = arith.constant 0 : index
    %get3A_34 = arith.constant 0 : index
    %get3A_35 = vector.load %arg4[%get3A_33, %get3A_34] : memref<128x128xf32, #tpu.memory_space<vmem>>, vector<128x128xf32>
    %dot_general3A_36 = arith.constant dense<0.000000e+00> : vector<10016x128xf32>
    %dot_general3A_37 = tpu.matmul %get3A_32, %get3A_35, %dot_general3A_36 {dimension_numbers = #tpu.dot_dimension_numbers<[1], [0], [0], [1], [0, 0, 1, 1], [], []>, transpose_lhs_hint = false} : vector<10016x128xf32>, vector<128x128xf32>, vector<10016x128xf32> -> vector<10016x128xf32>
    %add3A_38 = arith.addf %mul3A, %dot_general3A_37 : vector<10016x128xf32>
    %get3A_39 = arith.constant 0 : index
    %get3A_40 = arith.constant 0 : index
    %get3A_41 = vector.load %arg5[%get3A_39, %get3A_40] : memref<1x128xf32, #tpu.memory_space<vmem>>, vector<1x128xf32>
    %add3A_42 = vector.broadcast %get3A_41 : vector<1x128xf32> to vector<10016x128xf32>
    %add3A_43 = arith.addf %add3A_38, %add3A_42 : vector<10016x128xf32>
    %gt3A = arith.constant 0.000000e+00 : f32
    %gt3A_44 = vector.broadcast %gt3A : f32 to vector<10016x128xf32>
    %gt3A_45 = arith.cmpf ogt, %add3A_43, %gt3A_44 : vector<10016x128xf32>
    %min3A = arith.constant 0.000000e+00 : f32
    %min3A_46 = vector.broadcast %min3A : f32 to vector<10016x128xf32>
    %min3A_47 = arith.minimumf %add3A_43, %min3A_46 : vector<10016x128xf32>
    %exp3A = math.exp %min3A_47 : vector<10016x128xf32>
    %sub3A = arith.constant 1.000000e+00 : f32
    %sub3A_48 = vector.broadcast %sub3A : f32 to vector<10016x128xf32>
    %sub3A_49 = arith.subf %exp3A, %sub3A_48 : vector<10016x128xf32>
    %select_n3A = arith.select %gt3A_45, %add3A_43, %sub3A_49 : vector<10016x128xi1>, vector<10016x128xf32>
    %swap3A = arith.constant 0 : index
    %swap3A_50 = arith.constant 0 : index
    %swap3A_51 = vector.load %arg6[%swap3A, %swap3A_50] : memref<10016x128xf32, #tpu.memory_space<vmem>>, vector<10016x128xf32>
    tpu.vector_store %arg6[%swap3A, %swap3A_50], %select_n3A {strides = array<i32>} : memref<10016x128xf32, #tpu.memory_space<vmem>>, vector<10016x128xf32>,
    return
  }
}

</mosaic_0001>

<sc_bundles>
// kernel: kernel.5.cloned.1.call-start
scs
__scs_entry_jumppad:
0x0: {  	(pc) =	sbr.rel $0x88, $3  }
0x1: {  	(tag) =	ssettag $0x0;
	lr =	simm.s32 $0x1  }
0x2: {  	[smem:$0x3F9A] =	sst lr;
	_ =	strace $0xD0000000  }
0x3: {  	_ = 	snop  }
0x4: {  	_ = 	snop  }
0x5: {  	_ = 	snop  }
0x6: {  	_ = 	snop  }
0x7: {  	_ = 	snop  }
__scs_overlays_trampoline_lowered:
0x8: {  	[smem:$0x3FA9] =	sst s0  }
0x9: {  	[smem:$0x3FAA] =	sst s1  }
0xa: {  	[smem:$0x3FAB] =	sst s2  }
0xb: {  	[smem:$0x3FAC] =	sst s3  }
0xc: {  	[smem:$0x3FAD] =	sst s4  }
0xd: {  	[smem:$0x3FAE] =	sst s5  }
0xe: {  	[smem:$0x3FAF] =	sst s6  }
0xf: {  	[smem:$0x3FB0] =	sst s7  }
0x10: {  	[smem:$0x3FB1] =	sst s8  }
0x11: {  	[smem:$0x3FB2] =	sst s9;
	s0 =	simm.s32 @!p0 $0x0  }
0x12: {  	s1 =	sld [smem:$0x3F98];
	s0 =	simm.s32 @p0 $0x1  }
0x13: {  	[smem:$0x3FB3] =	sst s0;
	s0 =	simm.s32 @!p1 $0x0  }
0x14: {  	s2 =	sld [smem:$0x3F97];
	s0 =	simm.s32 @p1 $0x1  }
0x15: {  	[smem:$0x3FB4] =	sst s0;
	s0 =	simm.s32 @!p2 $0x0  }
0x16: {  	s3 =	sld [smem:$0x3FDB];
	s0 =	simm.s32 @p2 $0x1  }
0x17: {  	s4 =	simm.s32 $0x1BF5;
	[smem:$0x3FB6] =	sst s0  }
0x18: {  	s0 =	sld [smem:$0x3F99];
	_ =	swait.ge [sflag:s4], $0x0  }
0x19: {  	s7 =	sld [smem:$0x3F9A]  }
0x1a: {  	s8 =	sadd.s32 $0xFFFFE003, lr  }
0x1b: {  	s9 =	sadd.s32 $0xFFFFFEF7, lr;
	s5 =	simm.s32 $0xFFFFFFFF;
	p2 =	slt.u32 s8, $0xFFFFF086  }
0x1c: {  	p1 =	slt.u32 s9, $0xF7A;
	s5 =	simm.s32 @!p2 $0x0  }
0x1d: {  	s5 =	simm.s32 @p1 $0x1;
	p0 =	seq.s32 s7, s2  }
0x1e: {  	s7 =	smul.u32 @!p0 $0xF7A, s2;
	p2 =	seq.s32 @!p0 s5, $0x0  }
0x1f: {  	s9 =	smul.u32 $0xF7A, s1;
	s8 =	simm.s32 @!p0 $0x1BF5;
	p2 =	por !p2, p0  }
0x20: {  	[sflag:s8] =	ssyncset.s32 @!p0 $0xFFFFF086;
	s6 =	sadd.s32 @!p0 s3, s7;
	s7 =	simm.s32 @!p0 $0x108  }
0x21: {  	s3 =	sadd.s32 s3, s9;
	s6 =	sadd.s32 @!p0 $0x88, s6;
	s7 =	simm.s32 @p2 $0x1082  }
0x22: {  	[simem:s7], [sflag:s8] =	dma.local @!p0 [hbm:s6], $0xF7A  }
0x23: {  	s9 =	sor.u32 $0xD0000000, s2;
	s6 =	simm.s32 $0x108;
	_ =	swait.ge @!p0 [sflag:s8], $0x0  }
0x24: {  	s3 =	sadd.s32 $0x88, s3;
	s6 =	simm.s32 @!p1 $0x1082;
	[sflag:s4] =	ssyncset.s32 $0xFFFFF086  }
0x25: {  	[simem:s6], [sflag:s4] =	dma.local [hbm:s3], $0xF7A  }
0x26: {  	[smem:$0x3F9A] =	sst s1;
	(tag) =	ssettag s2;
	_ =	strace s9  }
0x27: {  	s1 =	sld [smem:$0x3FAA]  }
0x28: {  	s2 =	sld [smem:$0x3FAB]  }
0x29: {  	s4 =	sld [smem:$0x3FAD]  }
0x2a: {  	p0 =	seq.s32 s5, $0x0;
	s5 =	sld [smem:$0x3FAE]  }
0x2b: {  	s6 =	sld [smem:$0x3FAF]  }
0x2c: {  	s7 =	sld [smem:$0x3FB0]  }
0x2d: {  	s3 =	simm.s32 $0x108;
	s8 =	sld [smem:$0x3FB1]  }
0x2e: {  	s3 =	simm.s32 @!p0 $0x1082;
	s9 =	sld [smem:$0x3FB2]  }
0x2f: {  	lr =	sadd.s32 s0, s3;
	s0 =	sld [smem:$0x3FA9]  }
0x30: {  	s3 =	sld [smem:$0x3FAC]  }
0x31: {  	[smem:$0x3FB5] =	sst s10  }
0x32: {  	s10 =	sld [smem:$0x3FB3];
	_ =	sdelay $0x3  }
0x33: {  	p0 =	seq.s32 s10, $0x1;
	s10 =	sld [smem:$0x3FB5];
	_ =	sdelay $0x3  }
0x34: {  	[smem:$0x3FB5] =	sst s10  }
0x35: {  	s10 =	sld [smem:$0x3FB4];
	_ =	sdelay $0x3  }
0x36: {  	p1 =	seq.s32 s10, $0x1;
	s10 =	sld [smem:$0x3FB5];
	_ =	sdelay $0x3  }
0x37: {  	[smem:$0x3FB5] =	sst s10  }
0x38: {  	s10 =	sld [smem:$0x3FB6]  }
0x39: {  	_ = 	snop;
	(pc) =	sbr.ind lr, $3  }
0x3a: {  	_ = 	snop  }
0x3b: {  	_ = 	snop  }
0x3c: {  	p2 =	seq.s32 s10, $0x1;
	s10 =	sld [smem:$0x3FB5]  }
0x3d: {  	_ =	shalt  }
0x3e: {  	_ =	shalt  }
0x3f: {  	_ =	shalt  }
0x40: {  	_ =	shalt  }
0x41: {  	_ =	shalt  }
0x42: {  	_ =	shalt  }
0x43: {  	_ =	shalt  }
0x44: {  	_ =	shalt  }
0x45: {  	_ =	shalt  }
0x46: {  	_ =	shalt  }
0x47: {  	_ =	shalt  }
0x48: {  	_ =	shalt  }
0x49: {  	_ =	shalt  }
0x4a: {  	_ =	shalt  }
0x4b: {  	_ =	shalt  }
0x4c: {  	_ =	shalt  }
0x4d: {  	_ =	shalt  }
0x4e: {  	_ =	shalt  }
0x4f: {  	_ =	shalt  }
0x50: {  	_ =	shalt  }
0x51: {  	_ =	shalt  }
0x52: {  	_ =	shalt  }
0x53: {  	_ =	shalt  }
0x54: {  	_ =	shalt  }
0x55: {  	_ =	shalt  }
0x56: {  	_ =	shalt  }
0x57: {  	_ =	shalt  }
0x58: {  	_ =	shalt  }
0x59: {  	_ =	shalt  }
0x5a: {  	_ =	shalt  }
0x5b: {  	_ =	shalt  }
0x5c: {  	_ =	shalt  }
0x5d: {  	_ =	shalt  }
0x5e: {  	_ =	shalt  }
0x5f: {  	_ =	shalt  }
0x60: {  	_ =	shalt  }
0x61: {  	_ =	shalt  }
0x62: {  	_ =	shalt  }
0x63: {  	_ =	shalt  }
0x64: {  	_ =	shalt  }
0x65: {  	_ =	shalt  }
0x66: {  	_ =	shalt  }
0x67: {  	_ =	shalt  }
0x68: {  	_ =	shalt  }
0x69: {  	_ =	shalt  }
0x6a: {  	_ =	shalt  }
0x6b: {  	_ =	shalt  }
0x6c: {  	_ =	shalt  }
0x6d: {  	_ =	shalt  }
0x6e: {  	_ =	shalt  }
0x6f: {  	_ =	shalt  }
0x70: {  	_ =	shalt  }
0x71: {  	_ =	shalt  }
0x72: {  	_ =	shalt  }
0x73: {  	_ =	shalt  }
0x74: {  	_ =	shalt  }
0x75: {  	_ =	shalt  }
0x76: {  	_ =	shalt  }
0x77: {  	_ =	shalt  }
0x78: {  	_ =	shalt  }
0x79: {  	_ =	shalt  }
0x7a: {  	_ =	shalt  }
0x7b: {  	_ =	shalt  }
0x7c: {  	_ =	shalt  }
0x7d: {  	_ =	shalt  }
0x7e: {  	_ =	shalt  }
0x7f: {  	_ =	shalt  }
0x80: {  	_ =	shalt  }
0x81: {  	_ =	shalt  }
0x82: {  	_ =	shalt  }
0x83: {  	_ =	shalt  }
0x84: {  	_ =	shalt  }
0x85: {  	_ =	shalt  }
0x86: {  	_ =	shalt  }
0x87: {  	_ =	shalt  }
.Lfunc_end0:
.L_simem_size_0:
called_computation_lowered:
.L_overlay_start_0:
0x88: {  	s2 =	sld [smem:$0x3FD9]  }
0x89: {  	s3 =	sld [smem:$0x3FFE];
	_ =	sdelay $0x1  }
0x8a: {  	s1 =	srdreg.scid  }
0x8b: {  	s0 =	sand.u32 $0x1, s1  }
0x8c: {  	s17 =	sshll.u32 s0, $0xA;
	s2 =	sadd.s32 s3, s2  }
0x8d: {  	s2 =	sadd.s32 s2, s17  }
0x8e: {  	[smem:$0x3FC1] =	sst s2  }
0x8f: {  	_ = 	snop  }
0x90: {  	s2 =	sld [smem:$0x3FD0];
	(tm) =	ssettm $0x1  }
0x91: {  	s18 =	sld [smem:$0x3FFB];
	_ =	sdelay $0x3  }
0x92: {  	_ =	strace s18  }
0x93: {  	s3 =	sld [smem:$0x3FFC];
	_ =	sdelay $0x3  }
0x94: {  	_ =	strace s3  }
0x95: {  	s3 =	sld [smem:$0x3FFD];
	_ =	sdelay $0x3  }
0x96: {  	_ =	strace s3  }
0x97: {  	_ =	strace $0x8FFFFFFF  }
0x98: {  	s19 =	sld [smem:$0x3FDB];
	_ =	sdelay $0x1  }
0x99: {  	s4 =	simm.s32 $_scs_section_size  }
0x9a: {  	s5 =	simm.s32 $_size__tile_overlayer_lowered;
	s6 =	simm.s32 $_tile_overlayer_lowered  }
0x9b: {  	s22 =	simm.s32 $0x1BFF;
	s21 =	sshll.u32 s6, $0x1;
	s3 =	sadd.s32 s4, s19  }
0x9c: {  	s7 =	simm.s32 $0x0;
	s20 =	sshll.u32 s5, $0x1;
	s5 =	sadd.s32 s21, s3  }
0x9d: {  	[timem:s7], [sflag:s22] =	dma.local [hbm:s5], s20  }
0x9e: {  	_ =	swait.ge [sflag:s22], s20  }
0x9f: {  	s4 =	ssub.s32 $0x0, s20;
	[sflag:s22] =	ssyncset.done $0x0  }
0xa0: {  	[sflag:s22] =	ssyncadd.s32 s4;
	_ =	sdelay $0x1  }
0xa1: {  	s23 =	simm.s32 $0x1B8B  }
0xa2: {  	_ =	swait.ge [sflag:s23], $0x1  }
0xa3: {  	[sflag:s23] =	ssyncset.done $0x0  }
0xa4: {  	s25 =	simm.s32 $0x1B8E;
	s24 =	sld [smem:$0x3FFE];
	[sflag:s23] =	ssyncadd.s32 $0xFFFFFFFF  }
0xa5: {  	s26 =	simm.s32 $execute0_lowered;
	[smem:$0x3FD2] =	sst s25  }
0xa6: {  	s5 =	sshll.u32 s26, $0x1;
	_ =	strace $0x80000046;
	[dreg:$0x1] =	wrdreg $0xFFFFFFFF  }
0xa7: {  	s28 =	simm.s32 $_size_execute0_lowered;
	s3 =	sadd.s32 s3, s5;
	[dreg:$0x0] =	wrdreg $0x0  }
0xa8: {  	s5 =	sshll.u32 s28, $0x1;
	[dreg:$0x2] =	wrdreg s3  }
0xa9: {  	[dreg:$0x3] =	wrdreg s5  }
0xaa: {  	[dreg:$0x4] =	wrdreg $0xC0  }
0xab: {  	_ =	task [dreg:s7], $0x5FFFF  }
0xac: {  	[dreg:$0x1] =	wrdreg $0xFFFFFFFF  }
0xad: {  	[dreg:$0x0] =	wrdreg $0x60  }
0xae: {  	[dreg:$0x2] =	wrdreg s24  }
0xaf: {  	[dreg:$0x3] =	wrdreg s2  }
0xb0: {  	[dreg:$0x4] =	wrdreg $0x77000  }
0xb1: {  	[dreg:$0x5] =	wrdreg $0x113800  }
0xb2: {  	[dreg:$0x6] =	wrdreg $0x9  }
0xb3: {  	_ =	task.clear_ibuf [dreg:s7], $0x7FFFF;
	_ =	strace $0x90000046  }
0xb4: {  	s29 =	simm.s32 $0x9;
	_ =	strace $0x80000048  }
0xb5: {  	_ =	swait.ge [sflag:s29], $0x1  }
0xb6: {  	[sflag:s29] =	ssyncadd.s32 $0xFFFFFFFF  }
0xb7: {  	_ =	strace $0x90000048  }
0xb8: {  	_ =	sfence  }
0xb9: {  	s30 =	sld [smem:$0x0];
	_ =	sdelay $0x2  }
0xba: {  	s31 =	sshll.u32 s1, $0xD;
	s1 =	sshrl.u32 s1, $0x2  }
0xbb: {  	s3 =	sand.u32 $0x4000, s31;
	s1 =	sadd.s32 s1, s30  }
0xbc: {  	s0 =	sor.u32 s3, s0;
	s1 =	sshll.u32 s1, $0x11  }
0xbd: {  	s0 =	sor.u32 s1, s0  }
0xbe: {  	s0 =	sadd.s32 $0x8F2B, s0  }
0xbf: {  	[sflag:s0] =	ssyncadd.remote.s32 $0x1  }
0xc0: {  	_ =	sfence.sel $0xFFFF  }
0xc1: {  	[dreg:$0x0] =	wrdreg $0xFFFFFFFF;
	(pc) =	sbr.abs _section_cstart, $3  }
0xc2: {  	[dreg:$0x1] =	wrdreg $0xFFFFFFFF  }
0xc3: {  	_ =	task.clear_ibuf [dreg:s7], $0x2FFFF;
	_ =	strace $0x9FFFFFFF  }
0xc4: {  	(tm) =	ssettm $0x7FFFFFFF  }
0xc5: {  	_ =	shalt  }
tec
execute0_lowered:
.L_overlay_start_1:
0x0: {  	(tag) =	ssettag $0x1  }
0x1: {  	s0 =	rddreg [dreg:$0x0]  }
0x2: {  	s2 =	rddreg [dreg:$0x1]  }
0x3: {  	s3 =	rddreg [dreg:$0x2]  }
0x4: {  	s4 =	rddreg [dreg:$0x3]  }
0x5: {  	s15 =	stileid.u32;
	s6 =	simm.s32 $0x0;
	s5 =	srdreg.scid  }
0x6: {  	s28 =	simm.s32 $0xF00;
	s29 =	simm.s32 $0x680;
	s30 =	simm.s32 $0x1F00  }
0x7: {  	s31 =	simm.s32 $0x5700;
	s1 =	smul.u32 $0x13900, s15;
	[smem:$0x7FF] =	sst s6  }
0x8: {  	s9 =	smul.u32 $0x2720, s15;
	s5 =	sand.u32 $0x1, s5;
	s6 =	sadd.s32 $0x19600, s0  }
0x9: {  	s7 =	sadd.s32 $0x14600, s0;
	s18 =	sshll.u32 s15, $0x1;
	s8 =	smul.u32 $0x139000, s5  }
0xa: {  	s21 =	sshll.u32 s15, $0x6;
	_ =	strace $0x80000047;
	s11 =	smul.u32 $0x27200, s5  }
0xb: {  	s14 =	ssub.s32 $0x2, s5;
	s5 =	sor.u32 s5, s18;
	s10 =	sshrl.u32 s1, $0x4  }
0xc: {  	s12 =	sshrl.u32 s9, $0x3;
	s19 =	sshrl.u32 s14, $0x1;
	s10 =	sadd.s32 s10, s0  }
0xd: {  	s8 =	sadd.s32 s1, s8;
	s12 =	sadd.s32 s12, s0;
	s11 =	sadd.s32 s9, s11  }
0xe: {  	s1 =	sshrl.u32 s1, $0x1;
	s20 =	ssub.s32 s14, s19;
	s14 =	sor.u32 $0x1C05, s21  }
0xf: {  	s9 =	sadd.s32 s9, s4;
	s19 =	simm.s32 $0x80;
	s21 =	simm.s32 $0x700  }
0x10: {  	s8 =	sshrl.u32 s8, $0x4;
	s17 =	sshrl.u32 s11, $0x3;
	s1 =	sadd.s32 s1, s3  }
0x11: {  	s10 =	sadd.s32 $0xC00, s10;
	s23 =	sadd.s32 $0x23600, s12;
	[dreg:$0x6] =	wrdreg s14  }
0x12: {  	s26 =	smax.u32 s20, $0x1;
	s20 =	simm.s32 $0x500;
	[dreg:$0x5] =	wrdreg s10  }
0x13: {  	s12 =	simm.s32 $0x0;
	s13 =	sadd.s32 s8, s0;
	[dreg:$0x7] =	wrdreg s23  }
0x14: {  	s0 =	sadd.s32 s17, s0;
	s8 =	smul.u32 $0x2800, s5;
	[dreg:$0xb] =	wrdreg s26  }
0x15: {  	s11 =	sshrl.u32 s1, $0x3;
	s17 =	simm.s32 $0x5;
	s23 =	simm.s32 $0x1700  }
0x16: {  	s26 =	simm.s32 $0x580;
	s1 =	simm.s32 $0x2;
	s5 =	simm.s32 $0x3  }
0x17: {  	s25 =	sadd.s32 $0x28600, s13;
	s0 =	sadd.s32 $0x4F800, s0;
	[dreg:$0xc] =	wrdreg s11  }
0x18: {  	v0 =	vlaneseq.u32;
	s13 =	sshrl.u32 s9, $0x3;
	s9 =	simm.s32 $0x2F00;
	[dreg:$0x9] =	wrdreg s25  }
0x19: {  	v0 =	vmul.u32 $0xFFFFFFFF, v0;
	s22 =	sshrl.u32 s8, $0x3;
	[dreg:$0xa] =	wrdreg s0;
	s25 =	simm.s32 $0x1  }
0x1a: {  	s0 =	simm.s32 $0x2700;
	[dreg:$0xd] =	wrdreg s13;
	s24 =	sadd.s32 s6, s22  }
0x1b: {  	vm0 =	vmmov $0xff;
	v0 =	vadd.s32 $0xF, v0;
	s22 =	simm.s32 $0x600;
	[dreg:$0x8] =	wrdreg s24;
	s24 =	simm.s32 $0x3700  }
.LBB2_1:
0x1c: {  	s10 =	rddreg [dreg:$0x5]  }
0x1d: {  	[spmem:s11], [sflag:s14] =	dma.local [hbm:s10], $0x1390  }
0x1e: {  	_ =	swait.ge [sflag:s17], $0x1390  }
0x1f: {  	[sflag:s17] =	ssyncset.done $0x0  }
0x20: {  	s15 =	rddreg [dreg:$0x7];
	[sflag:s17] =	ssyncadd.s32 $0xFFFFEC70  }
0x21: {  	[spmem:s13], [sflag:s14] =	dma.local [hbm:s15], $0x4E4  }
0x22: {  	_ =	swait.ge [sflag:s17], $0x4E4  }
0x23: {  	[sflag:s17] =	ssyncset.done $0x0  }
0x24: {  	s16 =	simm.s32 $0x0;
	s18 =	rddreg [dreg:$0x8];
	[sflag:s17] =	ssyncadd.s32 $0xFFFFFB1C  }
0x25: {  	[tilespmem:s16], [sflag:$0x5] =	stream.linear.gather [hbm4b:s18+s16], $0x500, $0x38;
	[tilespmem:$0x13AA0] =	vst v63  }
0x26: {  	_ =	swait.ge [sflag:s17], $0x500  }
0x27: {  	[sflag:s17] =	ssyncset.done $0x0  }
0x28: {  	[sflag:s17] =	ssyncadd.s32 $0xFFFFFB00  }
0x29: {  	v1 =	vld [tilespmem:$0x0];
	_ =	sdelay $0x1  }
0x2a: {  	v2 =	vld [tilespmem:$0x10];
	_ =	sdelay $0x1  }
0x2b: {  	v3 =	vld [tilespmem:$0x20]  }
0x2c: {  	v4 =	vand.u32 $0x3FFF, v1  }
0x2d: {  	v62 =	vld [tilespmem:$0x30];
	v1 =	vshra.s32 v1, $0xE;
	[tilespmem:$0x500] =	vst v4  }
0x2e: {  	[tilespmem:$0x600] =	vst v1;
	v1 =	vand.u32 $0x3FFF, v2  }
0x2f: {  	[tilespmem:$0x510] =	vst v1;
	v1 =	vshra.s32 v2, $0xE;
	v2 =	vld [tilespmem:$0x40]  }
0x30: {  	[tilespmem:$0x610] =	vst v1;
	v1 =	vand.u32 $0x3FFF, v3  }
0x31: {  	[tilespmem:$0x520] =	vst v1;
	v1 =	vshra.s32 v3, $0xE;
	v3 =	vld [tilespmem:$0x50]  }
0x32: {  	[tilespmem:$0x620] =	vst v1;
	v1 =	vand.u32 $0x3FFF, v62  }
0x33: {  	v63 =	vld [tilespmem:$0x60];
	[tilespmem:$0x530] =	vst v1;
	v1 =	vshra.s32 v62, $0xE  }
0x34: {  	[tilespmem:$0x630] =	vst v1;
	v1 =	vand.u32 $0x3FFF, v2  }
0x35: {  	[tilespmem:$0x540] =	vst v1;
	v1 =	vshra.s32 v2, $0xE;
	v2 =	vld [tilespmem:$0x70]  }
0x36: {  	[tilespmem:$0x640] =	vst v1;
	v1 =	vand.u32 $0x3FFF, v3  }
0x37: {  	[tilespmem:$0x550] =	vst v1;
	v1 =	vshra.s32 v3, $0xE  }
0x38: {  	[tilespmem:$0x650] =	vst v1;
	v1 =	vand.u32 $0x3FFF, v63  }
0x39: {  	[tilespmem:$0x560] =	vst v1;
	v1 =	vshra.s32 v63, $0xE  }
0x3a: {  	[tilespmem:$0x660] =	vst v1;
	v1 =	vand.u32 $0x3FFF, v2  }
0x3b: {  	[tilespmem:$0x570] =	vst v1;
	v1 =	vshra.s32 v2, $0xE  }
0x3c: {  	[tilespmem:$0x670] =	vst v1  }
0x3d: {  	[tilespmem:s21], [sflag:$0x1] =	stream.indirect.gather [hbm4b:s7+s19], $0x10, s20, s19, $0xb8;
	[tilespmem:$0x13AA0] =	vst v63  }
0x3e: {  	_ = 	snop  }
0x3f: {  	[tilespmem:s23], [sflag:$0x1] =	stream.indirect.gather [hbm4b:s7+s19], $0x10, s22, s19, $0xb8;
	[tilespmem:$0x13AA0] =	vst v63  }
0x40: {  	_ = 	snop  }
0x41: {  	[tilespmem:s24], [sflag:$0x1] =	stream.indirect.gather [hbm4b:s2+s19], $0x40, s20, s19, $0xb8;
	[tilespmem:$0x13AA0] =	vst v63  }
0x42: {  	s13 =	simm.s32 $0x0;
	[bflag:$0x0] =	sbarrier.arrive $0xFFFF  }
.LBB2_2:
0x43: {  	_ =	swait.ge [sflag:s25], $0x800  }
0x44: {  	[sflag:s25] =	ssyncset.done $0x0  }
0x45: {  	[sflag:s25] =	ssyncadd.s32 $0xFFFFF800  }
0x46: {  	_ =	swait.ge [sflag:s25], $0x800  }
0x47: {  	s14 =	sshll.u32 s13, $0x1;
	[sflag:s25] =	ssyncset.done $0x0  }
0x48: {  	s15 =	sor.u32 $0x1, s14;
	[sflag:s25] =	ssyncadd.s32 $0xFFFFF800  }
0x49: {  	s11 =	smul.u32 $0xCD, s15;
	_ =	swait.ge [sflag:s25], $0x2000  }
0x4a: {  	p0 =	seq.s32 s13, $0x0;
	[sflag:s25] =	ssyncset.done $0x0  }
0x4b: {  	s16 =	simm.s32 @!p0 $0x4;
	s11 =	sshrl.u32 s11, $0xB;
	[sflag:s25] =	ssyncadd.s32 $0xFFFFE000  }
0x4c: {  	s11 =	sand.u32 $0x1F, s11;
	_ =	swait.ge @!p0 [sflag:s16], $0x800  }
0x4d: {  	s11 =	smul.u32 $0xA, s11;
	[sflag:s16] =	ssyncset.done @!p0 $0x0  }
0x4e: {  	[sflag:s16] =	ssyncadd.s32 @!p0 $0xFFFFF800  }
0x4f: {  	s11 =	ssub.s32 s15, s11;
	_ =	swait.ge @!p0 [sflag:s16], $0x2000  }
0x50: {  	s11 =	sand.u32 $0xFF, s11;
	[sflag:s16] =	ssyncset.done @!p0 $0x0  }
0x51: {  	s11 =	sshll.u32 s11, $0x7;
	[sflag:s16] =	ssyncadd.s32 @!p0 $0xFFFFE000  }
0x52: {  	v1 =	vld [tilespmem:s11+$0x0];
	_ =	sdelay $0x4  }
0x53: {  	v2 =	vand.u32 $0x3FFF, v1  }
0x54: {  	v1 =	vshra.s32 v1, $0xE;
	[tilespmem:$0x580] =	vst v2  }
0x55: {  	[tilespmem:$0x680] =	vst v1  }
0x56: {  	v1 =	vld [tilespmem:s11+$0x10];
	_ =	sdelay $0x4  }
0x57: {  	v2 =	vand.u32 $0x3FFF, v1  }
0x58: {  	v1 =	vshra.s32 v1, $0xE;
	[tilespmem:$0x590] =	vst v2  }
0x59: {  	[tilespmem:$0x690] =	vst v1  }
0x5a: {  	v1 =	vld [tilespmem:s11+$0x20];
	_ =	sdelay $0x4  }
0x5b: {  	v2 =	vand.u32 $0x3FFF, v1  }
0x5c: {  	v1 =	vshra.s32 v1, $0xE;
	[tilespmem:$0x5A0] =	vst v2  }
0x5d: {  	[tilespmem:$0x6A0] =	vst v1  }
0x5e: {  	v1 =	vld [tilespmem:s11+$0x30];
	_ =	sdelay $0x4  }
0x5f: {  	v2 =	vand.u32 $0x3FFF, v1  }
0x60: {  	v1 =	vshra.s32 v1, $0xE;
	[tilespmem:$0x5B0] =	vst v2  }
0x61: {  	[tilespmem:$0x6B0] =	vst v1  }
0x62: {  	v1 =	vld [tilespmem:s11+$0x40];
	_ =	sdelay $0x4  }
0x63: {  	v2 =	vand.u32 $0x3FFF, v1  }
0x64: {  	v1 =	vshra.s32 v1, $0xE;
	[tilespmem:$0x5C0] =	vst v2  }
0x65: {  	[tilespmem:$0x6C0] =	vst v1  }
0x66: {  	v1 =	vld [tilespmem:s11+$0x50];
	_ =	sdelay $0x4  }
0x67: {  	v2 =	vand.u32 $0x3FFF, v1  }
0x68: {  	v1 =	vshra.s32 v1, $0xE;
	[tilespmem:$0x5D0] =	vst v2  }
0x69: {  	[tilespmem:$0x6D0] =	vst v1  }
0x6a: {  	v1 =	vld [tilespmem:s11+$0x60];
	_ =	sdelay $0x4  }
0x6b: {  	v2 =	vand.u32 $0x3FFF, v1  }
0x6c: {  	v1 =	vshra.s32 v1, $0xE;
	[tilespmem:$0x5E0] =	vst v2  }
0x6d: {  	[tilespmem:$0x6E0] =	vst v1  }
0x6e: {  	v1 =	vld [tilespmem:s11+$0x70];
	_ =	sdelay $0x4  }
0x6f: {  	v2 =	vand.u32 $0x3FFF, v1  }
0x70: {  	v1 =	vshra.s32 v1, $0xE;
	[tilespmem:$0x5F0] =	vst v2  }
0x71: {  	[tilespmem:$0x6F0] =	vst v1  }
0x72: {  	[tilespmem:s28], [sflag:$0x2] =	stream.indirect.gather [hbm4b:s7+s19], $0x10, s26, s19, $0xb8;
	[tilespmem:$0x13AA0] =	vst v63  }
0x73: {  	_ = 	snop  }
0x74: {  	[tilespmem:s30], [sflag:$0x2] =	stream.indirect.gather [hbm4b:s7+s19], $0x10, s29, s19, $0xb8;
	[tilespmem:$0x13AA0] =	vst v63  }
0x75: {  	s18 =	simm.s32 $0x0  }
0x76: {  	[tilespmem:s31], [sflag:$0x2] =	stream.indirect.gather [hbm4b:s2+s19], $0x40, s26, s19, $0xb8;
	[tilespmem:$0x13AA0] =	vst v63  }
0x77: {  	v1 =	vld [tilespmem:s18+$0x700]  }
0x78: {  	v2 =	vld [tilespmem:s18+$0x1700];
	_ =	sdelay $0x4  }
0x79: {  	v1 =	vsel vm0, v1, v2  }
0x7a: {  	v2 =	vperm.xlane v1, v0;
	_ =	sdelay $0x1  }
0x7b: {  	v1 =	vadd.f32 v2, v1;
	_ =	sdelay $0x1  }
0x7c: {  	v2 =	vmul.f32 $2.000000030e-01, v1;
	_ =	sdelay $0x1  }
0x7d: {  	v1 =	vmax.f32 v1, v2  }
0x7e: {  	v1 =	vmul.f32 $1.442695020e+00, v1;
	_ =	sdelay $0x1  }
0x7f: {  	(erf) = vpow2.f32 v1;
	_ =	sdelay $0x8  }
0x80: {  	v2 =	vpop (erf)  }
0x81: {  	s16 =	simm.s32 $0x3720;
	[tilespmem:s18+$0x2700] =	vst v2  }
0x82: {  	v4 =	vld [tilespmem:s16+$0x10]  }
0x83: {  	v3 =	vbroadcast v2, $0x4;
	v5 =	vbroadcast v2, $0x6  }
0x84: {  	v1 =	vbroadcast v2, $0x2;
	v6 =	vbroadcast v2, $0x5;
	v7 =	vld [tilespmem:s16+$0x0]  }
0x85: {  	v8 =	vbroadcast v2, $0x3;
	v9 =	vbroadcast v2, $0x0  }
0x86: {  	v10 =	vbroadcast v2, $0x7;
	v11 =	vbroadcast v2, $0x1;
	v2 =	vld [tilespmem:s16+$0xFFFFFFF0]  }
0x87: {  	v12 =	vsel vm0, v3, v6;
	v3 =	vunpack.i.u.bf16.f32 v4;
	v6 =	vunpack.i.l.bf16.f32 v4;
	v4 =	vld [tilespmem:s16+$0xFFFFFFE0]  }
0x88: {  	v1 =	vsel vm0, v1, v8;
	v8 =	vsel vm0, v5, v10  }
0x89: {  	v10 =	vunpack.i.u.bf16.f32 v7;
	v7 =	vunpack.i.l.bf16.f32 v7;
	v3 =	vmul.f32 v3, v8  }
0x8a: {  	s11 =	simm.s32 $0x40;
	s18 =	simm.s32 $0x3720;
	v5 =	vsel vm0, v9, v11;
	v7 =	vmul.f32 v7, v12;
	v9 =	vmul.f32 v10, v12  }
.LBB2_3:
0x8b: {  	p0 =	sne.s32 s11, $0x1FC0  }
0x8c: {  	v10 =	vunpack.i.l.bf16.f32 v4;
	v11 =	vunpack.i.l.bf16.f32 v2;
	v6 =	vmul.f32 v6, v8;
	s16 =	sadd.s32 $0x40, s16;
	s10 =	smov.u32 s11;
	s11 =	sadd.s32 $0x40, s11  }
0x8d: {  	v4 =	vunpack.i.u.bf16.f32 v4;
	v2 =	vunpack.i.u.bf16.f32 v2;
	v8 =	vmul.f32 v11, v1  }
0x8e: {  	v10 =	vmul.f32 v5, v10;
	v1 =	vmul.f32 v2, v1;
	v2 =	vpack.i.f32.bf16 v9, v7  }
0x8f: {  	v4 =	vmul.f32 v5, v4;
	[tilespmem:s18+$0x0] =	vst v2;
	v2 =	vpack.i.f32.bf16 v3, v6  }
0x90: {  	v1 =	vpack.i.f32.bf16 v1, v8;
	[tilespmem:s18+$0x10] =	vst v2  }
0x91: {  	v2 =	vpack.i.f32.bf16 v4, v10;
	[tilespmem:s18+$0xFFFFFFF0] =	vst v1  }
0x92: {  	s10 =	sshra.s32 s10, $0x2;
	[tilespmem:s18+$0xFFFFFFE0] =	vst v2;
	s18 =	smov.u32 s16  }
0x93: {  	v1 =	vld [tilespmem:s10+$0x700]  }
0x94: {  	v2 =	vld [tilespmem:s10+$0x1700];
	_ =	sdelay $0x4  }
0x95: {  	v1 =	vsel vm0, v1, v2  }
0x96: {  	v2 =	vperm.xlane v1, v0;
	_ =	sdelay $0x1  }
0x97: {  	v1 =	vadd.f32 v2, v1;
	_ =	sdelay $0x1  }
0x98: {  	v2 =	vmul.f32 $2.000000030e-01, v1;
	_ =	sdelay $0x1  }
0x99: {  	v1 =	vmax.f32 v1, v2  }
0x9a: {  	v1 =	vmul.f32 $1.442695020e+00, v1;
	_ =	sdelay $0x1  }
0x9b: {  	(erf) = vpow2.f32 v1;
	_ =	sdelay $0x8  }
0x9c: {  	v3 =	vpop (erf)  }
0x9d: {  	[tilespmem:s10+$0x2700] =	vst v3;
	v5 =	vbroadcast v3, $0x4;
	v7 =	vbroadcast v3, $0x6  }
0x9e: {  	v1 =	vbroadcast v3, $0x2;
	v6 =	vbroadcast v3, $0x5;
	v8 =	vld [tilespmem:s16+$0x10]  }
0x9f: {  	v9 =	vbroadcast v3, $0x0;
	v10 =	vbroadcast v3, $0x3;
	v11 =	vld [tilespmem:s16+$0x0]  }
0xa0: {  	v2 =	vld [tilespmem:s16+$0xFFFFFFF0]  }
.Ltmp0:
0xa1: {  	v1 =	vsel vm0, v1, v10;
	v10 =	vbroadcast v3, $0x7;
	v4 =	vld [tilespmem:s16+$0xFFFFFFE0];
	(pc) =	sbr.rel @p0 .LBB2_3-.Ltmp0, $4  }
0xa2: {  	v12 =	vbroadcast v3, $0x1;
	v13 =	vsel vm0, v5, v6  }
0xa3: {  	v3 =	vunpack.i.u.bf16.f32 v8;
	v6 =	vunpack.i.l.bf16.f32 v8;
	v8 =	vsel vm0, v7, v10  }
0xa4: {  	v10 =	vunpack.i.u.bf16.f32 v11;
	v7 =	vunpack.i.l.bf16.f32 v11;
	v3 =	vmul.f32 v3, v8  }
0xa5: {  	v5 =	vsel vm0, v9, v12;
	v7 =	vmul.f32 v7, v13;
	v9 =	vmul.f32 v10, v13  }
0xa6: {  	v10 =	vunpack.i.l.bf16.f32 v4;
	v11 =	vunpack.i.l.bf16.f32 v2  }
0xa7: {  	v6 =	vmul.f32 v6, v8;
	v61 =	vunpack.i.u.bf16.f32 v4;
	v2 =	vunpack.i.u.bf16.f32 v2  }
0xa8: {  	v62 =	vmul.f32 v11, v1;
	v1 =	vmul.f32 v2, v1;
	v2 =	vpack.i.f32.bf16 v9, v7  }
0xa9: {  	v63 =	vmul.f32 v5, v10;
	v4 =	vmul.f32 v5, v61;
	[tilespmem:s18+$0x0] =	vst v2;
	v2 =	vpack.i.f32.bf16 v3, v6  }
0xaa: {  	v1 =	vpack.i.f32.bf16 v1, v62;
	[tilespmem:s18+$0x10] =	vst v2  }
0xab: {  	v2 =	vpack.i.f32.bf16 v4, v63;
	[tilespmem:s18+$0xFFFFFFF0] =	vst v1  }
0xac: {  	[tilespmem:s18+$0xFFFFFFE0] =	vst v2  }
0xad: {  	[spmem:s4] =	stream.indirect.scatter.add.f32 [tilespmem:s0], [sflag:$0x3], $0x10, s22, s19, $0xb8;
	[tilespmem:$0x13AA0] =	vst v63  }
0xae: {  	_ = 	snop  }
0xaf: {  	[spmem:s3] =	stream.indirect.scatter.add.bf16 [tilespmem:s24], [sflag:$0x3], $0x40, s22, s19, $0xb8;
	[tilespmem:$0x13AA0] =	vst v63  }
0xb0: {  	_ =	swait.ge [sflag:s1], $0x800  }
0xb1: {  	[sflag:s1] =	ssyncset.done $0x0  }
0xb2: {  	[sflag:s1] =	ssyncadd.s32 $0xFFFFF800  }
0xb3: {  	_ =	swait.ge [sflag:s1], $0x800  }
0xb4: {  	[sflag:s1] =	ssyncset.done $0x0  }
0xb5: {  	[sflag:s1] =	ssyncadd.s32 $0xFFFFF800  }
0xb6: {  	_ =	swait.ge [sflag:s1], $0x2000  }
0xb7: {  	[sflag:s1] =	ssyncset.done $0x0  }
0xb8: {  	[sflag:s1] =	ssyncadd.s32 $0xFFFFE000  }
0xb9: {  	p0 =	sgt.u32 s15, $0x4E;
	_ =	swait.ge [sflag:s5], $0x800  }
.Ltmp1:
0xba: {  	[sflag:s5] =	ssyncset.done $0x0;
	(pc) =	sbr.rel @p0 .LBB2_6-.Ltmp1, $4  }
0xbb: {  	[sflag:s5] =	ssyncadd.s32 $0xFFFFF800  }
0xbc: {  	_ =	swait.ge [sflag:s5], $0x2000  }
0xbd: {  	[sflag:s5] =	ssyncset.done $0x0  }
0xbe: {  	[sflag:s5] =	ssyncadd.s32 $0xFFFFE000  }
0xbf: {  	s10 =	sadd.s32 $0x2, s14  }
0xc0: {  	s11 =	smul.u32 $0xCD, s10;
	_ =	sdelay $0x1  }
0xc1: {  	s11 =	sshrl.u32 s11, $0xB  }
0xc2: {  	s11 =	sand.u32 $0x1F, s11  }
0xc3: {  	s11 =	smul.u32 $0xA, s11;
	_ =	sdelay $0x1  }
0xc4: {  	s11 =	ssub.s32 s10, s11  }
0xc5: {  	s11 =	sand.u32 $0xFF, s11  }
0xc6: {  	p0 =	sne.s32 s11, $0x0  }
0xc7: {  	s10 =	sshll.u32 @!p0 s10, $0x7  }
0xc8: {  	s10 =	sadd.s32 @!p0 s8, s10  }
0xc9: {  	s10 =	sshrl.u32 @!p0 s10, $0x3  }
0xca: {  	s14 =	simm.s32 @!p0 $0x0;
	s10 =	sadd.s32 @!p0 s6, s10  }
0xcb: {  	[tilespmem:s14], [sflag:$0x5] =	stream.linear.gather @!p0 [hbm4b:s10+s14], $0x500, $0x38;
	[tilespmem:$0x13AA0] =	vst v63  }
0xcc: {  	s10 =	simm.s32 @!p0 $0x5  }
0xcd: {  	_ =	swait.ge @!p0 [sflag:s10], $0x500  }
0xce: {  	[sflag:s10] =	ssyncset.done @!p0 $0x0  }
0xcf: {  	s18 =	sshll.u32 s11, $0x7;
	[sflag:s10] =	ssyncadd.s32 @!p0 $0xFFFFFB00  }
0xd0: {  	v1 =	vld [tilespmem:s18+$0x0];
	_ =	sdelay $0x4  }
0xd1: {  	v2 =	vand.u32 $0x3FFF, v1  }
0xd2: {  	v1 =	vshra.s32 v1, $0xE;
	[tilespmem:$0x500] =	vst v2  }
0xd3: {  	[tilespmem:$0x600] =	vst v1  }
0xd4: {  	v1 =	vld [tilespmem:s18+$0x10];
	_ =	sdelay $0x4  }
0xd5: {  	v2 =	vand.u32 $0x3FFF, v1  }
0xd6: {  	v1 =	vshra.s32 v1, $0xE;
	[tilespmem:$0x510] =	vst v2  }
0xd7: {  	[tilespmem:$0x610] =	vst v1  }
0xd8: {  	v1 =	vld [tilespmem:s18+$0x20];
	_ =	sdelay $0x4  }
0xd9: {  	v2 =	vand.u32 $0x3FFF, v1  }
0xda: {  	v1 =	vshra.s32 v1, $0xE;
	[tilespmem:$0x520] =	vst v2  }
0xdb: {  	[tilespmem:$0x620] =	vst v1  }
0xdc: {  	v1 =	vld [tilespmem:s18+$0x30];
	_ =	sdelay $0x4  }
0xdd: {  	v2 =	vand.u32 $0x3FFF, v1  }
0xde: {  	v1 =	vshra.s32 v1, $0xE;
	[tilespmem:$0x530] =	vst v2  }
0xdf: {  	[tilespmem:$0x630] =	vst v1  }
0xe0: {  	v1 =	vld [tilespmem:s18+$0x40];
	_ =	sdelay $0x4  }
0xe1: {  	v2 =	vand.u32 $0x3FFF, v1  }
0xe2: {  	v1 =	vshra.s32 v1, $0xE;
	[tilespmem:$0x540] =	vst v2  }
0xe3: {  	[tilespmem:$0x640] =	vst v1  }
0xe4: {  	v1 =	vld [tilespmem:s18+$0x50];
	_ =	sdelay $0x4  }
0xe5: {  	v2 =	vand.u32 $0x3FFF, v1  }
0xe6: {  	v1 =	vshra.s32 v1, $0xE;
	[tilespmem:$0x550] =	vst v2  }
0xe7: {  	[tilespmem:$0x650] =	vst v1  }
0xe8: {  	v1 =	vld [tilespmem:s18+$0x60];
	_ =	sdelay $0x4  }
0xe9: {  	v2 =	vand.u32 $0x3FFF, v1  }
0xea: {  	v1 =	vshra.s32 v1, $0xE;
	[tilespmem:$0x560] =	vst v2  }
0xeb: {  	[tilespmem:$0x660] =	vst v1  }
0xec: {  	v1 =	vld [tilespmem:s18+$0x70];
	_ =	sdelay $0x4  }
0xed: {  	v2 =	vand.u32 $0x3FFF, v1  }
0xee: {  	v1 =	vshra.s32 v1, $0xE;
	[tilespmem:$0x570] =	vst v2  }
0xef: {  	[tilespmem:$0x670] =	vst v1  }
0xf0: {  	[tilespmem:s21], [sflag:$0x1] =	stream.indirect.gather [hbm4b:s7+s19], $0x10, s20, s19, $0xb8;
	[tilespmem:$0x13AA0] =	vst v63  }
0xf1: {  	_ = 	snop  }
0xf2: {  	[tilespmem:s23], [sflag:$0x1] =	stream.indirect.gather [hbm4b:s7+s19], $0x10, s22, s19, $0xb8;
	[tilespmem:$0x13AA0] =	vst v63  }
0xf3: {  	_ = 	snop  }
0xf4: {  	[tilespmem:s24], [sflag:$0x1] =	stream.indirect.gather [hbm4b:s2+s19], $0x40, s20, s19, $0xb8;
	[tilespmem:$0x13AA0] =	vst v63  }
.LBB2_6:
0xf5: {  	s10 =	simm.s32 $0x0  }
0xf6: {  	v1 =	vld [tilespmem:s10+$0xF00]  }
0xf7: {  	v2 =	vld [tilespmem:s10+$0x1F00];
	_ =	sdelay $0x4  }
0xf8: {  	v1 =	vsel vm0, v1, v2  }
0xf9: {  	v2 =	vperm.xlane v1, v0;
	_ =	sdelay $0x1  }
0xfa: {  	v1 =	vadd.f32 v2, v1;
	_ =	sdelay $0x1  }
0xfb: {  	v2 =	vmul.f32 $2.000000030e-01, v1;
	_ =	sdelay $0x1  }
0xfc: {  	v1 =	vmax.f32 v1, v2  }
0xfd: {  	v1 =	vmul.f32 $1.442695020e+00, v1;
	_ =	sdelay $0x1  }
0xfe: {  	(erf) = vpow2.f32 v1;
	_ =	sdelay $0x8  }
0xff: {  	v2 =	vpop (erf)  }
0x100: {  	s14 =	simm.s32 $0x5720;
	[tilespmem:s10+$0x2F00] =	vst v2  }
0x101: {  	v4 =	vld [tilespmem:s14+$0x10]  }
0x102: {  	v3 =	vbroadcast v2, $0x4;
	v5 =	vbroadcast v2, $0x6  }
0x103: {  	v1 =	vbroadcast v2, $0x2;
	v6 =	vbroadcast v2, $0x5;
	v7 =	vld [tilespmem:s14+$0x0]  }
0x104: {  	v8 =	vbroadcast v2, $0x3;
	v9 =	vbroadcast v2, $0x0  }
0x105: {  	v10 =	vbroadcast v2, $0x7;
	v11 =	vbroadcast v2, $0x1;
	v2 =	vld [tilespmem:s14+$0xFFFFFFF0]  }
0x106: {  	v12 =	vsel vm0, v3, v6;
	v3 =	vunpack.i.u.bf16.f32 v4;
	v6 =	vunpack.i.l.bf16.f32 v4;
	v4 =	vld [tilespmem:s14+$0xFFFFFFE0]  }
0x107: {  	v1 =	vsel vm0, v1, v8;
	v8 =	vsel vm0, v5, v10  }
0x108: {  	v10 =	vunpack.i.u.bf16.f32 v7;
	v7 =	vunpack.i.l.bf16.f32 v7;
	v3 =	vmul.f32 v3, v8  }
0x109: {  	s11 =	simm.s32 $0x40;
	s15 =	simm.s32 $0x5720;
	v5 =	vsel vm0, v9, v11;
	v7 =	vmul.f32 v7, v12;
	v9 =	vmul.f32 v10, v12  }
.LBB2_7:
0x10a: {  	p0 =	sne.s32 s11, $0x1FC0  }
0x10b: {  	v10 =	vunpack.i.l.bf16.f32 v4;
	v11 =	vunpack.i.l.bf16.f32 v2;
	v6 =	vmul.f32 v6, v8;
	s14 =	sadd.s32 $0x40, s14;
	s10 =	smov.u32 s11;
	s11 =	sadd.s32 $0x40, s11  }
0x10c: {  	v4 =	vunpack.i.u.bf16.f32 v4;
	v2 =	vunpack.i.u.bf16.f32 v2;
	v8 =	vmul.f32 v11, v1  }
0x10d: {  	v10 =	vmul.f32 v5, v10;
	v1 =	vmul.f32 v2, v1;
	v2 =	vpack.i.f32.bf16 v9, v7  }
0x10e: {  	v4 =	vmul.f32 v5, v4;
	[tilespmem:s15+$0x0] =	vst v2;
	v2 =	vpack.i.f32.bf16 v3, v6  }
0x10f: {  	v1 =	vpack.i.f32.bf16 v1, v8;
	[tilespmem:s15+$0x10] =	vst v2  }
0x110: {  	v2 =	vpack.i.f32.bf16 v4, v10;
	[tilespmem:s15+$0xFFFFFFF0] =	vst v1  }
0x111: {  	s10 =	sshra.s32 s10, $0x2;
	[tilespmem:s15+$0xFFFFFFE0] =	vst v2;
	s15 =	smov.u32 s14  }
0x112: {  	v1 =	vld [tilespmem:s10+$0xF00]  }
0x113: {  	v2 =	vld [tilespmem:s10+$0x1F00];
	_ =	sdelay $0x4  }
0x114: {  	v1 =	vsel vm0, v1, v2  }
0x115: {  	v2 =	vperm.xlane v1, v0;
	_ =	sdelay $0x1  }
0x116: {  	v1 =	vadd.f32 v2, v1;
	_ =	sdelay $0x1  }
0x117: {  	v2 =	vmul.f32 $2.000000030e-01, v1;
	_ =	sdelay $0x1  }
0x118: {  	v1 =	vmax.f32 v1, v2  }
0x119: {  	v1 =	vmul.f32 $1.442695020e+00, v1;
	_ =	sdelay $0x1  }
0x11a: {  	(erf) = vpow2.f32 v1;
	_ =	sdelay $0x8  }
0x11b: {  	v3 =	vpop (erf)  }
0x11c: {  	[tilespmem:s10+$0x2F00] =	vst v3;
	v5 =	vbroadcast v3, $0x4;
	v7 =	vbroadcast v3, $0x6  }
0x11d: {  	v1 =	vbroadcast v3, $0x2;
	v6 =	vbroadcast v3, $0x5;
	v8 =	vld [tilespmem:s14+$0x10]  }
0x11e: {  	v9 =	vbroadcast v3, $0x0;
	v10 =	vbroadcast v3, $0x3;
	v11 =	vld [tilespmem:s14+$0x0]  }
0x11f: {  	v2 =	vld [tilespmem:s14+$0xFFFFFFF0]  }
.Ltmp2:
0x120: {  	v1 =	vsel vm0, v1, v10;
	v10 =	vbroadcast v3, $0x7;
	v4 =	vld [tilespmem:s14+$0xFFFFFFE0];
	(pc) =	sbr.rel @p0 .LBB2_7-.Ltmp2, $4  }
0x121: {  	v12 =	vbroadcast v3, $0x1;
	v13 =	vsel vm0, v5, v6  }
0x122: {  	v3 =	vunpack.i.u.bf16.f32 v8;
	v6 =	vunpack.i.l.bf16.f32 v8;
	v8 =	vsel vm0, v7, v10  }
0x123: {  	v10 =	vunpack.i.u.bf16.f32 v11;
	v7 =	vunpack.i.l.bf16.f32 v11;
	v3 =	vmul.f32 v3, v8  }
0x124: {  	v5 =	vsel vm0, v9, v12;
	v7 =	vmul.f32 v7, v13;
	v9 =	vmul.f32 v10, v13  }
0x125: {  	v10 =	vunpack.i.l.bf16.f32 v4;
	v11 =	vunpack.i.l.bf16.f32 v2  }
0x126: {  	v6 =	vmul.f32 v6, v8;
	v61 =	vunpack.i.u.bf16.f32 v4;
	v2 =	vunpack.i.u.bf16.f32 v2  }
0x127: {  	v62 =	vmul.f32 v11, v1;
	v1 =	vmul.f32 v2, v1;
	v2 =	vpack.i.f32.bf16 v9, v7  }
0x128: {  	s13 =	sadd.s32 $0x1, s13;
	v63 =	vmul.f32 v5, v10;
	v4 =	vmul.f32 v5, v61;
	[tilespmem:s15+$0x0] =	vst v2;
	v2 =	vpack.i.f32.bf16 v3, v6  }
0x129: {  	p0 =	sne.s32 s13, $0x28;
	v1 =	vpack.i.f32.bf16 v1, v62;
	[tilespmem:s15+$0x10] =	vst v2  }
.Ltmp3:
0x12a: {  	v2 =	vpack.i.f32.bf16 v4, v63;
	[tilespmem:s15+$0xFFFFFFF0] =	vst v1;
	(pc) =	sbr.rel @p0 .LBB2_2-.Ltmp3, $4  }
0x12b: {  	[tilespmem:s15+$0xFFFFFFE0] =	vst v2  }
0x12c: {  	[spmem:s4] =	stream.indirect.scatter.add.f32 [tilespmem:s9], [sflag:$0x4], $0x10, s29, s19, $0xb8;
	[tilespmem:$0x13AA0] =	vst v63  }
0x12d: {  	_ = 	snop  }
0x12e: {  	[spmem:s3] =	stream.indirect.scatter.add.bf16 [tilespmem:s31], [sflag:$0x4], $0x40, s29, s19, $0xb8;
	[tilespmem:$0x13AA0] =	vst v63  }
0x12f: {  	s10 =	simm.s32 $0x4  }
0x130: {  	_ =	swait.ge [sflag:s10], $0x800  }
0x131: {  	[sflag:s10] =	ssyncset.done $0x0  }
0x132: {  	[sflag:s10] =	ssyncadd.s32 $0xFFFFF800  }
0x133: {  	_ =	swait.ge [sflag:s10], $0x2000  }
0x134: {  	[sflag:s10] =	ssyncset.done $0x0  }
0x135: {  	[sflag:s10] =	ssyncadd.s32 $0xFFFFE000  }
0x136: {  	[bflag:$0x0] =	sbarrier.arrive $0xFFFF  }
0x137: {  	s14 =	rddreg [dreg:$0x6]  }
0x138: {  	s15 =	rddreg [dreg:$0x9]  }
0x139: {  	s11 =	rddreg [dreg:$0xc]  }
0x13a: {  	[hbm:s15], [sflag:s14] =	dma.local [spmem:s11], $0x1390  }
0x13b: {  	_ =	swait.ge [sflag:s17], $0x1390  }
0x13c: {  	[sflag:s17] =	ssyncset.done $0x0;
	s16 =	rddreg [dreg:$0xa]  }
0x13d: {  	s13 =	rddreg [dreg:$0xd];
	[sflag:s17] =	ssyncadd.s32 $0xFFFFEC70  }
0x13e: {  	[hbm:s16], [sflag:s14] =	dma.local [spmem:s13], $0x4E4  }
0x13f: {  	_ =	swait.ge [sflag:s17], $0x4E4  }
0x140: {  	s12 =	sadd.s32 $0x1, s12;
	s18 =	rddreg [dreg:$0xb]  }
0x141: {  	p0 =	sne.s32 s12, s18  }
.Ltmp4:
0x142: {  	_ = 	snop;
	(pc) =	sbr.rel @p0 .LBB2_1-.Ltmp4, $3  }
0x143: {  	_ =	sdelay $0x1  }
0x144: {  	[sflag:s17] =	ssyncset.done $0x0  }
0x145: {  	[sflag:s17] =	ssyncadd.s32 $0xFFFFFB1C  }
0x146: {  	_ =	sfence.sel $0x180000  }
0x147: {  	[bflag:$0x0] =	sbarrier.arrive $0xFFFF  }
0x148: {  	_ =	strace $0x90000047  }
0x149: {  	s0 =	stileid.u32;
	[bflag:$0x2] =	sbarrier.arrive $0xFFFF  }
0x14a: {  	p0 =	sne.s32 s0, $0x0;
	s0 =	rddreg [dreg:$0x4]  }
0x14b: {  	s0 =	sadd.s32 @!p0 $0x100000, s0  }
0x14c: {  	[sflag:s0] =	ssyncadd.tile.s32 @!p0 $0x1;
	_ =	shalt  }
.Lfunc_end2:
_tile_overlayer_lowered:
.L_overlay_start_2:
0x14d: {  	(tag) =	ssettag $0x2  }
0x14e: {  	s0 =	rddreg [dreg:$0x0];
	s2 =	stileid.u32  }
0x14f: {  	s1 =	rddreg [dreg:$0x1];
	p0 =	sne.s32 s2, $0x0  }
0x150: {  	s3 =	rddreg [dreg:$0x2];
	[bflag:$0x3] =	sbarrier.arrive $0xFFFF;
	s2 =	simm.s32 @!p0 $0x1C05  }
0x151: {  	[timem:s3], [sflag:s2] =	dma.local @!p0 [hbm:s0], s1  }
0x152: {  	s0 =	simm.s32 @!p0 $0x5  }
0x153: {  	_ =	swait.ge @!p0 [sflag:s0], s1  }
0x154: {  	s1 =	ssub.s32 @!p0 $0x0, s1;
	[sflag:s0] =	ssyncset.done @!p0 $0x0  }
0x155: {  	[sflag:s0] =	ssyncadd.s32 @!p0 s1  }
0x156: {  	[bflag:$0x3] =	sbarrier.arrive $0xFFFF  }
0x157: {  	_ =	shalt  }

</sc_bundles>
